<compile_context>
chip_gen: v7x
topology: tpu7x:2x2x1
jax: 0.10.2.dev20260603
libtpu: 0.0.44.dev20260713+nightly
codegen_flags: <defaults>
</compile_context>

<pallas_src>
import functools

import jax
import jax.numpy as jnp
from jax import lax
from jax.experimental import pallas as pl
from jax.experimental.pallas import tpu as pltpu
from jax.experimental.pallas import tpu_sc as plsc

_P_LAMBDA = 0.4
_K = 50


def _sc_gather_body(rows_per_tile, vec_hbm, ms_hbm, idx_hbm, vp_hbm, sp_hbm,
                    idx_v, rows_v, s_v, sem):
    wid = lax.axis_index("s") * 2 + lax.axis_index("c")
    base = wid * rows_per_tile
    pltpu.sync_copy(idx_hbm.at[pl.ds(base, rows_per_tile)], idx_v)
    pltpu.async_copy(vec_hbm.at[idx_v], rows_v, sem).wait()
    pltpu.async_copy(ms_hbm.at[idx_v], s_v, sem).wait()
    pltpu.sync_copy(rows_v, vp_hbm.at[pl.ds(base, rows_per_tile)])
    pltpu.sync_copy(s_v, sp_hbm.at[pl.ds(base, rows_per_tile)])


def _sc_gather(vectors, mscores, idxp, npad):
    d = vectors.shape[1]
    rpt = npad // 32
    return pl.kernel(
        functools.partial(_sc_gather_body, rpt),
        out_type=[jax.ShapeDtypeStruct((npad, d), jnp.float32),
                  jax.ShapeDtypeStruct((npad,), jnp.float32)],
        mesh=plsc.VectorSubcoreMesh(core_axis_name="c", subcore_axis_name="s"),
        scratch_types=[pltpu.VMEM((rpt,), jnp.int32),
                       pltpu.VMEM((rpt, d), jnp.float32),
                       pltpu.VMEM((rpt,), jnp.float32),
                       pltpu.SemaphoreType.DMA],
    )(vectors, mscores, idxp)


def _mention_body(v_ref, wm1_ref, bm1_ref, wm2_ref, bm2_ref, out_ref):
    h = jnp.maximum(
        jnp.dot(v_ref[...], wm1_ref[...], preferred_element_type=jnp.float32)
        + bm1_ref[...], 0.0)
    out_ref[...] = (
        jnp.dot(h, wm2_ref[...], preferred_element_type=jnp.float32)
        + bm2_ref[...])


def _pair_body(n, ni, vp_ref, sp_ref, wa_ref, wb_ref, wc_ref, bp1_ref,
               wp2_ref, bp2_ref, out_ref, sc_ref):
    vp = vp_ref[...]
    sp = sp_ref[...]
    a = jnp.dot(vp, wa_ref[...], preferred_element_type=jnp.float32)
    b = jnp.dot(vp, wb_ref[...], preferred_element_type=jnp.float32)
    ai = a[:ni] + bp1_ref[...]
    vi = vp[:ni]
    base = sp[:ni] + bp2_ref[0, 0]
    wc = wc_ref[...]
    wp2 = wp2_ref[...]
    row = jax.lax.broadcasted_iota(jnp.int32, (ni, 1), 0)
    nsh = ni + (_K // 8) * 8
    vsh = [vp[r:r + nsh] for r in range(8)]
    bsh = [b[r:r + nsh] for r in range(8)]
    ssh = [sp[r:r + nsh] for r in range(8)]
    for k in range(1, _K + 1):
        q, r = (k // 8) * 8, k % 8
        vj = vsh[r][q:q + ni]
        bj = bsh[r][q:q + ni]
        sj = ssh[r][q:q + ni]
        h = jnp.maximum(
            ai + bj + jnp.dot(vi * vj, wc, preferred_element_type=jnp.float32),
            0.0)
        ps = jnp.dot(h, wp2, preferred_element_type=jnp.float32)
        col = ps + sj + base
        col = jnp.where(row < n - k, col, -1e9)
        sc_ref[:, k - 1:k] = col
    sc_ref[:, _K:_K + 1] = jnp.zeros((ni, 1), jnp.float32)
    sc = sc_ref[...]
    mx = jnp.max(sc, axis=1, keepdims=True)
    e = jnp.exp(sc - mx)
    out_ref[...] = (e / jnp.sum(e, axis=1, keepdims=True))[:n - 1]


def kernel(vectors, span_starts, span_ends, Wm1, bm1, Wm2, bm2, Wp1, bp1,
           Wp2, bp2):
    t, d = vectors.shape
    n = int(_P_LAMBDA * t)
    hidden = Wm1.shape[1]

    mscores = pl.pallas_call(
        _mention_body,
        out_shape=jax.ShapeDtypeStruct((t, 1), jnp.float32),
    )(vectors, Wm1, bm1.reshape(1, hidden), Wm2, bm2.reshape(1, 1))[:, 0]

    order = jnp.argsort(-mscores)
    top = order[:n]
    skey = span_starts[top] * 100000 + span_ends[top]
    perm = jnp.argsort(-skey)
    idx = top[perm]

    ni = ((n - 1) + 7) // 8 * 8
    npad = 1024
    idxp = jnp.zeros((npad,), jnp.int32).at[:n].set(idx.astype(jnp.int32))
    vp, sp = _sc_gather(vectors, mscores, idxp, npad)
    sp = sp.reshape(npad, 1)
    wa, wb, wc = Wp1[:d], Wp1[d:2 * d], Wp1[2 * d:]

    probs = pl.pallas_call(
        functools.partial(_pair_body, n, ni),
        out_shape=jax.ShapeDtypeStruct((n - 1, _K + 1), jnp.float32),
        scratch_shapes=[pltpu.VMEM((ni, _K + 1), jnp.float32)],
    )(vp, sp, wa, wb, wc, bp1.reshape(1, hidden), Wp2, bp2.reshape(1, 1))
    return probs

# --- scband reference (transcript-rebuilt; emitter-appended) ---
"""Pipeline reference for scband-coreference-model-44598940402062 (READ-ONLY COPY).

The authoritative reference and input builder live on the scoring server;
editing this copy changes nothing except your own understanding.
"""

import jax, jax.numpy as jnp
import numpy as np

P_LAMBDA = 0.4
K = 50
HIDDEN = 128

def _ffnn(x, W1, b1, W2, b2):
    h = jax.nn.relu(jnp.dot(x, W1) + b1)
    return jnp.dot(h, W2) + b2

def setup_inputs(seed: int = 0) -> dict:
    key = jax.random.key(seed)
    ks = jax.random.split(key, 8)
    t, d3 = 2048, 384
    dpair = 3 * d3
    vectors = jax.random.normal(ks[0], (t, d3), dtype=jnp.float32)
    span_starts = jax.random.randint(ks[1], (t,), 0, 8192)
    span_ends = jax.random.randint(ks[2], (t,), 0, 8192)
    def lin(k, fi, fo):
        return jax.random.normal(k, (fi, fo), dtype=jnp.float32) / np.sqrt(fi)
    Wm1 = lin(ks[3], d3, HIDDEN); bm1 = jnp.zeros((HIDDEN,), jnp.float32)
    Wm2 = lin(ks[4], HIDDEN, 1); bm2 = jnp.zeros((1,), jnp.float32)
    Wp1 = lin(ks[5], dpair, HIDDEN); bp1 = jnp.zeros((HIDDEN,), jnp.float32)
    Wp2 = lin(ks[6], HIDDEN, 1); bp2 = jnp.zeros((1,), jnp.float32)
    return {"vectors": vectors, "span_starts": span_starts, "span_ends": span_ends,
            "Wm1": Wm1, "bm1": bm1, "Wm2": Wm2, "bm2": bm2,
            "Wp1": Wp1, "bp1": bp1, "Wp2": Wp2, "bp2": bp2}

def reference(vectors, span_starts, span_ends, Wm1, bm1, Wm2, bm2, Wp1, bp1, Wp2, bp2):
    t = vectors.shape[0]
    m = int(P_LAMBDA * t)
    # mention scoring
    mscores = _ffnn(vectors, Wm1, bm1, Wm2, bm2)[:, 0]
    # sort descending by mention score, keep top int(p_lambda * t)
    order = jnp.argsort(-mscores)
    top = order[:m]
    sel_v = vectors[top]
    sel_s = mscores[top]
    # re-sort kept spans by (i_start, i_end) descending
    skey = span_starts[top] * 100000 + span_ends[top]
    perm = jnp.argsort(-skey)
    v = sel_v[perm]
    s = sel_s[perm]
    n = m
    # for each span i, score the next min(K, n-i-1) spans as antecedents (vectorized, padded)
    i_idx = jnp.arange(n - 1)
    j_idx = i_idx[:, None] + 1 + jnp.arange(K)[None, :]
    valid = j_idx < n
    j_clip = jnp.minimum(j_idx, n - 1)
    vi = v[i_idx][:, None, :]
    vj = v[j_clip]
    pair = jnp.concatenate([jnp.broadcast_to(vi, vj.shape), vj, vi * vj], axis=-1)
    ps = _ffnn(pair, Wp1, bp1, Wp2, bp2)[..., 0]
    scores = ps + s[j_clip] + s[i_idx][:, None]
    scores = jnp.where(valid, scores, -1e9)
    # append dummy epsilon antecedent with score 0, then softmax
    scores_full = jnp.concatenate([scores, jnp.zeros((n - 1, 1), scores.dtype)], axis=-1)
    probs = jax.nn.softmax(scores_full, axis=-1)
    return probs

if __name__ == "__main__":
    import jax
    _d = setup_inputs()
    print(jax.jit(kernel)(*tuple(_d.values())))

</pallas_src>

<mosaic_0001>
#map = affine_map<(d0, d1) -> (0, 0)>
#map1 = affine_map<(d0, d1) -> (0)>
module attributes {stable_mosaic.version = 14 : i64} {
  func.func @_sc_gather_body(%arg0: i32, %arg1: i32, %arg2: memref<2048x384xf32, #tpu.memory_space<hbm>>, %arg3: memref<2048xf32, #tpu.memory_space<hbm>>, %arg4: memref<1024xi32, #tpu.memory_space<hbm>>, %arg5: memref<1024x384xf32, #tpu.memory_space<hbm>>, %arg6: memref<1024xf32, #tpu.memory_space<hbm>>, %arg7: memref<32xi32, #tpu.memory_space<vmem>>, %arg8: memref<32x384xf32, #tpu.memory_space<vmem>>, %arg9: memref<32xf32, #tpu.memory_space<vmem>>, %arg10: memref<!tpu.dma_semaphore, #tpu.memory_space<semaphore_mem>>) attributes {dimension_semantics = [#tpu.dimension_semantics<core_parallel>, #tpu.dimension_semantics<subcore_parallel>], iteration_bounds = array<i64: 2, 16>, scalar_prefetch = 0 : i64, scratch_operands = 4 : i64, tpu.core_type = #tpu.core_type<sc_vector_subcore>, window_params = [{transform_indices = #map}, {transform_indices = #map1}, {transform_indices = #map1}, {transform_indices = #map}, {transform_indices = #map1}]} {
    %mul3A = arith.constant 2 : i32
    %mul3A_0 = arith.muli %arg1, %mul3A : i32
    %add3A = arith.addi %mul3A_0, %arg0 : i32
    %mul3A_1 = arith.constant 32 : i32
    %mul3A_2 = arith.muli %add3A, %mul3A_1 : i32
    "tpu.region"() ({
      %run_scoped3A = tpu.sem_alloc : memref<!tpu.dma_semaphore, #tpu.memory_space<semaphore_mem>>
      %dma_start3A_11 = tpu.memref_slice %arg4[%mul3A_2] : memref<1024xi32, #tpu.memory_space<hbm>> -> memref<32xi32, #tpu.memory_space<hbm>>
      %dma_start3A_12 = tpu.memref_slice %arg4[%mul3A_2] : memref<1024xi32, #tpu.memory_space<hbm>> -> memref<32xi32, #tpu.memory_space<hbm>>
      tpu.enqueue_dma source(%dma_start3A_12 : memref<32xi32, #tpu.memory_space<hbm>>) target(%arg7 : memref<32xi32, #tpu.memory_space<vmem>>) target_semaphore(%run_scoped3A : memref<!tpu.dma_semaphore, #tpu.memory_space<semaphore_mem>>)
      %dma_wait3A_13 = tpu.memref_slice %arg4[%mul3A_2] : memref<1024xi32, #tpu.memory_space<hbm>> -> memref<32xi32, #tpu.memory_space<hbm>>
      %dma_wait3A_14 = tpu.memref_slice %arg4[%mul3A_2] : memref<1024xi32, #tpu.memory_space<hbm>> -> memref<32xi32, #tpu.memory_space<hbm>>
      tpu.wait_dma2 semaphore(%run_scoped3A : memref<!tpu.dma_semaphore, #tpu.memory_space<semaphore_mem>>) src(%dma_wait3A_14 : memref<32xi32, #tpu.memory_space<hbm>>) dst(%arg7 : memref<32xi32, #tpu.memory_space<vmem>>)
      tpu.yield
    }) : () -> ()
    %dma_start3A = arith.constant 0 : i32
    %dma_start3A_3 = arith.constant 0 : i32
    %dma_start3A_4 = tpu.memref_slice %arg2[%dma_start3A, %dma_start3A_3] : memref<2048x384xf32, #tpu.memory_space<hbm>> -> memref<2048x384xf32, #tpu.memory_space<hbm>>
    tpu.enqueue_indirect_dma source(%dma_start3A_4 : memref<2048x384xf32, #tpu.memory_space<hbm>>) target(%arg8 : memref<32x384xf32, #tpu.memory_space<vmem>>) offsets(%arg7 : memref<32xi32, #tpu.memory_space<vmem>>) semaphore(%arg10 : memref<!tpu.dma_semaphore, #tpu.memory_space<semaphore_mem>>)
    %dma_wait3A = arith.constant 0 : i32
    %dma_wait3A_5 = arith.constant 0 : i32
    %dma_wait3A_6 = tpu.memref_slice %arg2[%dma_wait3A, %dma_wait3A_5] : memref<2048x384xf32, #tpu.memory_space<hbm>> -> memref<2048x384xf32, #tpu.memory_space<hbm>>
    tpu.wait_indirect_dma semaphore(%arg10 : memref<!tpu.dma_semaphore, #tpu.memory_space<semaphore_mem>>) src(%dma_wait3A_6 : memref<2048x384xf32, #tpu.memory_space<hbm>>) dst(%arg8 : memref<32x384xf32, #tpu.memory_space<vmem>>)
    %dma_start3A_7 = arith.constant 0 : i32
    %dma_start3A_8 = tpu.memref_slice %arg3[%dma_start3A_7] : memref<2048xf32, #tpu.memory_space<hbm>> -> memref<2048xf32, #tpu.memory_space<hbm>>
    tpu.enqueue_indirect_dma source(%dma_start3A_8 : memref<2048xf32, #tpu.memory_space<hbm>>) target(%arg9 : memref<32xf32, #tpu.memory_space<vmem>>) offsets(%arg7 : memref<32xi32, #tpu.memory_space<vmem>>) semaphore(%arg10 : memref<!tpu.dma_semaphore, #tpu.memory_space<semaphore_mem>>)
    %dma_wait3A_9 = arith.constant 0 : i32
    %dma_wait3A_10 = tpu.memref_slice %arg3[%dma_wait3A_9] : memref<2048xf32, #tpu.memory_space<hbm>> -> memref<2048xf32, #tpu.memory_space<hbm>>
    tpu.wait_indirect_dma semaphore(%arg10 : memref<!tpu.dma_semaphore, #tpu.memory_space<semaphore_mem>>) src(%dma_wait3A_10 : memref<2048xf32, #tpu.memory_space<hbm>>) dst(%arg9 : memref<32xf32, #tpu.memory_space<vmem>>)
    "tpu.region"() ({
      %run_scoped3A = tpu.sem_alloc : memref<!tpu.dma_semaphore, #tpu.memory_space<semaphore_mem>>
      %dma_start3A_11 = arith.constant 0 : i32
      %dma_start3A_12 = tpu.memref_slice %arg5[%mul3A_2, %dma_start3A_11] : memref<1024x384xf32, #tpu.memory_space<hbm>> -> memref<32x384xf32, #tpu.memory_space<hbm>>
      %dma_start3A_13 = arith.constant 0 : i32
      %dma_start3A_14 = tpu.memref_slice %arg5[%mul3A_2, %dma_start3A_13] : memref<1024x384xf32, #tpu.memory_space<hbm>> -> memref<32x384xf32, #tpu.memory_space<hbm>>
      tpu.enqueue_dma source(%arg8 : memref<32x384xf32, #tpu.memory_space<vmem>>) target(%dma_start3A_14 : memref<32x384xf32, #tpu.memory_space<hbm>>) target_semaphore(%run_scoped3A : memref<!tpu.dma_semaphore, #tpu.memory_space<semaphore_mem>>)
      %dma_wait3A_15 = arith.constant 0 : i32
      %dma_wait3A_16 = tpu.memref_slice %arg5[%mul3A_2, %dma_wait3A_15] : memref<1024x384xf32, #tpu.memory_space<hbm>> -> memref<32x384xf32, #tpu.memory_space<hbm>>
      %dma_wait3A_17 = arith.constant 0 : i32
      %dma_wait3A_18 = tpu.memref_slice %arg5[%mul3A_2, %dma_wait3A_17] : memref<1024x384xf32, #tpu.memory_space<hbm>> -> memref<32x384xf32, #tpu.memory_space<hbm>>
      tpu.wait_dma2 semaphore(%run_scoped3A : memref<!tpu.dma_semaphore, #tpu.memory_space<semaphore_mem>>) src(%arg8 : memref<32x384xf32, #tpu.memory_space<vmem>>) dst(%dma_wait3A_18 : memref<32x384xf32, #tpu.memory_space<hbm>>)
      tpu.yield
    }) : () -> ()
    "tpu.region"() ({
      %run_scoped3A = tpu.sem_alloc : memref<!tpu.dma_semaphore, #tpu.memory_space<semaphore_mem>>
      %dma_start3A_11 = tpu.memref_slice %arg6[%mul3A_2] : memref<1024xf32, #tpu.memory_space<hbm>> -> memref<32xf32, #tpu.memory_space<hbm>>
      %dma_start3A_12 = tpu.memref_slice %arg6[%mul3A_2] : memref<1024xf32, #tpu.memory_space<hbm>> -> memref<32xf32, #tpu.memory_space<hbm>>
      tpu.enqueue_dma source(%arg9 : memref<32xf32, #tpu.memory_space<vmem>>) target(%dma_start3A_12 : memref<32xf32, #tpu.memory_space<hbm>>) target_semaphore(%run_scoped3A : memref<!tpu.dma_semaphore, #tpu.memory_space<semaphore_mem>>)
      %dma_wait3A_13 = tpu.memref_slice %arg6[%mul3A_2] : memref<1024xf32, #tpu.memory_space<hbm>> -> memref<32xf32, #tpu.memory_space<hbm>>
      %dma_wait3A_14 = tpu.memref_slice %arg6[%mul3A_2] : memref<1024xf32, #tpu.memory_space<hbm>> -> memref<32xf32, #tpu.memory_space<hbm>>
      tpu.wait_dma2 semaphore(%run_scoped3A : memref<!tpu.dma_semaphore, #tpu.memory_space<semaphore_mem>>) src(%arg9 : memref<32xf32, #tpu.memory_space<vmem>>) dst(%dma_wait3A_14 : memref<32xf32, #tpu.memory_space<hbm>>)
      tpu.yield
    }) : () -> ()
    return
  }
}

module attributes {stable_mosaic.version = 14 : i64} {
  func.func @_mention_body(%arg0: memref<2048x384xf32, #tpu.memory_space<vmem>>, %arg1: memref<384x128xf32, #tpu.memory_space<vmem>>, %arg2: memref<1x128xf32, #tpu.memory_space<vmem>>, %arg3: memref<128x1xf32, #tpu.memory_space<vmem>>, %arg4: memref<1x1xf32, #tpu.memory_space<vmem>>, %arg5: memref<2048x1xf32, #tpu.memory_space<vmem>>) attributes {dimension_semantics = [], scalar_prefetch = 0 : i64, scratch_operands = 0 : i64, tpu.core_type = #tpu.core_type<tc>} {
    %get3A = arith.constant 0 : index
    %get3A_0 = arith.constant 0 : index
    %get3A_1 = vector.load %arg0[%get3A, %get3A_0] : memref<2048x384xf32, #tpu.memory_space<vmem>>, vector<2048x384xf32>
    %get3A_2 = arith.constant 0 : index
    %get3A_3 = arith.constant 0 : index
    %get3A_4 = vector.load %arg1[%get3A_2, %get3A_3] : memref<384x128xf32, #tpu.memory_space<vmem>>, vector<384x128xf32>
    %dot_general3A = arith.constant dense<0.000000e+00> : vector<2048x128xf32>
    %dot_general3A_5 = tpu.matmul %get3A_1, %get3A_4, %dot_general3A {dimension_numbers = #tpu.dot_dimension_numbers<[1], [0], [0], [1], [0, 0, 1, 1], [], []>, transpose_lhs_hint = false} : vector<2048x384xf32>, vector<384x128xf32>, vector<2048x128xf32> -> vector<2048x128xf32>
    %get3A_6 = arith.constant 0 : index
    %get3A_7 = arith.constant 0 : index
    %get3A_8 = vector.load %arg2[%get3A_6, %get3A_7] : memref<1x128xf32, #tpu.memory_space<vmem>>, vector<1x128xf32>
    %add3A = vector.broadcast %get3A_8 : vector<1x128xf32> to vector<2048x128xf32>
    %add3A_9 = arith.addf %dot_general3A_5, %add3A : vector<2048x128xf32>
    %max3A = arith.constant 0.000000e+00 : f32
    %max3A_10 = vector.broadcast %max3A : f32 to vector<2048x128xf32>
    %max3A_11 = arith.maximumf %add3A_9, %max3A_10 : vector<2048x128xf32>
    %get3A_12 = arith.constant 0 : index
    %get3A_13 = arith.constant 0 : index
    %get3A_14 = vector.load %arg3[%get3A_12, %get3A_13] : memref<128x1xf32, #tpu.memory_space<vmem>>, vector<128x1xf32>
    %dot_general3A_15 = arith.constant dense<0.000000e+00> : vector<2048x1xf32>
    %dot_general3A_16 = tpu.matmul %max3A_11, %get3A_14, %dot_general3A_15 {dimension_numbers = #tpu.dot_dimension_numbers<[1], [0], [0], [1], [0, 0, 1, 1], [], []>, transpose_lhs_hint = false} : vector<2048x128xf32>, vector<128x1xf32>, vector<2048x1xf32> -> vector<2048x1xf32>
    %get3A_17 = arith.constant 0 : index
    %get3A_18 = arith.constant 0 : index
    %get3A_19 = vector.load %arg4[%get3A_17, %get3A_18] : memref<1x1xf32, #tpu.memory_space<vmem>>, vector<1x1xf32>
    %add3A_20 = vector.broadcast %get3A_19 : vector<1x1xf32> to vector<2048x1xf32>
    %add3A_21 = arith.addf %dot_general3A_16, %add3A_20 : vector<2048x1xf32>
    %swap3A = arith.constant 0 : index
    %swap3A_22 = arith.constant 0 : index
    %swap3A_23 = vector.load %arg5[%swap3A, %swap3A_22] : memref<2048x1xf32, #tpu.memory_space<vmem>>, vector<2048x1xf32>
    tpu.vector_store %arg5[%swap3A, %swap3A_22], %add3A_21 {strides = array<i32>} : memref<2048x1xf32, #tpu.memory_space<vmem>>, vector<2048x1xf32>,
    return
  }
}

module attributes {stable_mosaic.version = 14 : i64} {
  func.func @_pair_body(%arg0: memref<1024x384xf32, #tpu.memory_space<vmem>>, %arg1: memref<1024x1xf32, #tpu.memory_space<vmem>>, %arg2: memref<384x128xf32, #tpu.memory_space<vmem>>, %arg3: memref<384x128xf32, #tpu.memory_space<vmem>>, %arg4: memref<384x128xf32, #tpu.memory_space<vmem>>, %arg5: memref<1x128xf32, #tpu.memory_space<vmem>>, %arg6: memref<128x1xf32, #tpu.memory_space<vmem>>, %arg7: memref<1x1xf32, #tpu.memory_space<vmem>>, %arg8: memref<818x51xf32, #tpu.memory_space<vmem>>, %arg9: memref<824x51xf32, #tpu.memory_space<vmem>>) attributes {dimension_semantics = [], scalar_prefetch = 0 : i64, scratch_operands = 1 : i64, tpu.core_type = #tpu.core_type<tc>} {
    %get3A = arith.constant 0 : index
    %get3A_0 = arith.constant 0 : index
    %get3A_1 = vector.load %arg0[%get3A, %get3A_0] : memref<1024x384xf32, #tpu.memory_space<vmem>>, vector<1024x384xf32>
    %get3A_2 = arith.constant 0 : index
    %get3A_3 = arith.constant 0 : index
    %get3A_4 = vector.load %arg1[%get3A_2, %get3A_3] : memref<1024x1xf32, #tpu.memory_space<vmem>>, vector<1024x1xf32>
    %get3A_5 = arith.constant 0 : index
    %get3A_6 = arith.constant 0 : index
    %get3A_7 = vector.load %arg2[%get3A_5, %get3A_6] : memref<384x128xf32, #tpu.memory_space<vmem>>, vector<384x128xf32>
    %dot_general3A = arith.constant dense<0.000000e+00> : vector<1024x128xf32>
    %dot_general3A_8 = tpu.matmul %get3A_1, %get3A_7, %dot_general3A {dimension_numbers = #tpu.dot_dimension_numbers<[1], [0], [0], [1], [0, 0, 1, 1], [], []>, transpose_lhs_hint = false} : vector<1024x384xf32>, vector<384x128xf32>, vector<1024x128xf32> -> vector<1024x128xf32>
    %get3A_9 = arith.constant 0 : index
    %get3A_10 = arith.constant 0 : index
    %get3A_11 = vector.load %arg3[%get3A_9, %get3A_10] : memref<384x128xf32, #tpu.memory_space<vmem>>, vector<384x128xf32>
    %dot_general3A_12 = arith.constant dense<0.000000e+00> : vector<1024x128xf32>
    %dot_general3A_13 = tpu.matmul %get3A_1, %get3A_11, %dot_general3A_12 {dimension_numbers = #tpu.dot_dimension_numbers<[1], [0], [0], [1], [0, 0, 1, 1], [], []>, transpose_lhs_hint = false} : vector<1024x384xf32>, vector<384x128xf32>, vector<1024x128xf32> -> vector<1024x128xf32>
    %slice3A = vector.extract_strided_slice %dot_general3A_8 {offsets = [0, 0], sizes = [824, 128], strides = [1, 1]} : vector<1024x128xf32> to vector<824x128xf32>
    %get3A_14 = arith.constant 0 : index
    %get3A_15 = arith.constant 0 : index
    %get3A_16 = vector.load %arg5[%get3A_14, %get3A_15] : memref<1x128xf32, #tpu.memory_space<vmem>>, vector<1x128xf32>
    %add3A = vector.broadcast %get3A_16 : vector<1x128xf32> to vector<824x128xf32>
    %add3A_17 = arith.addf %slice3A, %add3A : vector<824x128xf32>
    %slice3A_18 = vector.extract_strided_slice %get3A_1 {offsets = [0, 0], sizes = [824, 384], strides = [1, 1]} : vector<1024x384xf32> to vector<824x384xf32>
    %slice3A_19 = vector.extract_strided_slice %get3A_4 {offsets = [0, 0], sizes = [824, 1], strides = [1, 1]} : vector<1024x1xf32> to vector<824x1xf32>
    %get3A_20 = arith.constant 0 : index
    %get3A_21 = arith.constant 0 : index
    %get3A_22 = vector.load %arg7[%get3A_20, %get3A_21] : memref<1x1xf32, #tpu.memory_space<vmem>>, vector<1x1xf32>
    %get3A_23 = vector.extract %get3A_22[0, 0] : f32 from vector<1x1xf32>
    %add3A_24 = vector.broadcast %get3A_23 : f32 to vector<824x1xf32>
    %add3A_25 = arith.addf %slice3A_19, %add3A_24 : vector<824x1xf32>
    %get3A_26 = arith.constant 0 : index
    %get3A_27 = arith.constant 0 : index
    %get3A_28 = vector.load %arg4[%get3A_26, %get3A_27] : memref<384x128xf32, #tpu.memory_space<vmem>>, vector<384x128xf32>
    %get3A_29 = arith.constant 0 : index
    %get3A_30 = arith.constant 0 : index
    %get3A_31 = vector.load %arg6[%get3A_29, %get3A_30] : memref<128x1xf32, #tpu.memory_space<vmem>>, vector<128x1xf32>
    %iota3A = tpu.iota {dimensions = array<i32: 0>} : vector<824x1xi32>
    %slice3A_32 = vector.extract_strided_slice %get3A_1 {offsets = [0, 0], sizes = [872, 384], strides = [1, 1]} : vector<1024x384xf32> to vector<872x384xf32>
    %slice3A_33 = vector.extract_strided_slice %get3A_1 {offsets = [1, 0], sizes = [872, 384], strides = [1, 1]} : vector<1024x384xf32> to vector<872x384xf32>
    %slice3A_34 = vector.extract_strided_slice %get3A_1 {offsets = [2, 0], sizes = [872, 384], strides = [1, 1]} : vector<1024x384xf32> to vector<872x384xf32>
    %slice3A_35 = vector.extract_strided_slice %get3A_1 {offsets = [3, 0], sizes = [872, 384], strides = [1, 1]} : vector<1024x384xf32> to vector<872x384xf32>
    %slice3A_36 = vector.extract_strided_slice %get3A_1 {offsets = [4, 0], sizes = [872, 384], strides = [1, 1]} : vector<1024x384xf32> to vector<872x384xf32>
    %slice3A_37 = vector.extract_strided_slice %get3A_1 {offsets = [5, 0], sizes = [872, 384], strides = [1, 1]} : vector<1024x384xf32> to vector<872x384xf32>
    %slice3A_38 = vector.extract_strided_slice %get3A_1 {offsets = [6, 0], sizes = [872, 384], strides = [1, 1]} : vector<1024x384xf32> to vector<872x384xf32>
    %slice3A_39 = vector.extract_strided_slice %get3A_1 {offsets = [7, 0], sizes = [872, 384], strides = [1, 1]} : vector<1024x384xf32> to vector<872x384xf32>
    %slice3A_40 = vector.extract_strided_slice %dot_general3A_13 {offsets = [0, 0], sizes = [872, 128], strides = [1, 1]} : vector<1024x128xf32> to vector<872x128xf32>
    %slice3A_41 = vector.extract_strided_slice %dot_general3A_13 {offsets = [1, 0], sizes = [872, 128], strides = [1, 1]} : vector<1024x128xf32> to vector<872x128xf32>
    %slice3A_42 = vector.extract_strided_slice %dot_general3A_13 {offsets = [2, 0], sizes = [872, 128], strides = [1, 1]} : vector<1024x128xf32> to vector<872x128xf32>
    %slice3A_43 = vector.extract_strided_slice %dot_general3A_13 {offsets = [3, 0], sizes = [872, 128], strides = [1, 1]} : vector<1024x128xf32> to vector<872x128xf32>
    %slice3A_44 = vector.extract_strided_slice %dot_general3A_13 {offsets = [4, 0], sizes = [872, 128], strides = [1, 1]} : vector<1024x128xf32> to vector<872x128xf32>
    %slice3A_45 = vector.extract_strided_slice %dot_general3A_13 {offsets = [5, 0], sizes = [872, 128], strides = [1, 1]} : vector<1024x128xf32> to vector<872x128xf32>
    %slice3A_46 = vector.extract_strided_slice %dot_general3A_13 {offsets = [6, 0], sizes = [872, 128], strides = [1, 1]} : vector<1024x128xf32> to vector<872x128xf32>
    %slice3A_47 = vector.extract_strided_slice %dot_general3A_13 {offsets = [7, 0], sizes = [872, 128], strides = [1, 1]} : vector<1024x128xf32> to vector<872x128xf32>
    %slice3A_48 = vector.extract_strided_slice %get3A_4 {offsets = [0, 0], sizes = [872, 1], strides = [1, 1]} : vector<1024x1xf32> to vector<872x1xf32>
    %slice3A_49 = vector.extract_strided_slice %get3A_4 {offsets = [1, 0], sizes = [872, 1], strides = [1, 1]} : vector<1024x1xf32> to vector<872x1xf32>
    %slice3A_50 = vector.extract_strided_slice %get3A_4 {offsets = [2, 0], sizes = [872, 1], strides = [1, 1]} : vector<1024x1xf32> to vector<872x1xf32>
    %slice3A_51 = vector.extract_strided_slice %get3A_4 {offsets = [3, 0], sizes = [872, 1], strides = [1, 1]} : vector<1024x1xf32> to vector<872x1xf32>
    %slice3A_52 = vector.extract_strided_slice %get3A_4 {offsets = [4, 0], sizes = [872, 1], strides = [1, 1]} : vector<1024x1xf32> to vector<872x1xf32>
    %slice3A_53 = vector.extract_strided_slice %get3A_4 {offsets = [5, 0], sizes = [872, 1], strides = [1, 1]} : vector<1024x1xf32> to vector<872x1xf32>
    %slice3A_54 = vector.extract_strided_slice %get3A_4 {offsets = [6, 0], sizes = [872, 1], strides = [1, 1]} : vector<1024x1xf32> to vector<872x1xf32>
    %slice3A_55 = vector.extract_strided_slice %get3A_4 {offsets = [7, 0], sizes = [872, 1], strides = [1, 1]} : vector<1024x1xf32> to vector<872x1xf32>
    %slice3A_56 = vector.extract_strided_slice %slice3A_33 {offsets = [0, 0], sizes = [824, 384], strides = [1, 1]} : vector<872x384xf32> to vector<824x384xf32>
    %slice3A_57 = vector.extract_strided_slice %slice3A_41 {offsets = [0, 0], sizes = [824, 128], strides = [1, 1]} : vector<872x128xf32> to vector<824x128xf32>
    %slice3A_58 = vector.extract_strided_slice %slice3A_49 {offsets = [0, 0], sizes = [824, 1], strides = [1, 1]} : vector<872x1xf32> to vector<824x1xf32>
    %add3A_59 = arith.addf %add3A_17, %slice3A_57 : vector<824x128xf32>
    %mul3A = arith.mulf %slice3A_18, %slice3A_56 : vector<824x384xf32>
    %dot_general3A_60 = arith.constant dense<0.000000e+00> : vector<824x128xf32>
    %dot_general3A_61 = tpu.matmul %mul3A, %get3A_28, %dot_general3A_60 {dimension_numbers = #tpu.dot_dimension_numbers<[1], [0], [0], [1], [0, 0, 1, 1], [], []>, transpose_lhs_hint = false} : vector<824x384xf32>, vector<384x128xf32>, vector<824x128xf32> -> vector<824x128xf32>
    %add3A_62 = arith.addf %add3A_59, %dot_general3A_61 : vector<824x128xf32>
    %max3A = arith.constant 0.000000e+00 : f32
    %max3A_63 = vector.broadcast %max3A : f32 to vector<824x128xf32>
    %max3A_64 = arith.maximumf %add3A_62, %max3A_63 : vector<824x128xf32>
    %dot_general3A_65 = arith.constant dense<0.000000e+00> : vector<824x1xf32>
    %dot_general3A_66 = tpu.matmul %max3A_64, %get3A_31, %dot_general3A_65 {dimension_numbers = #tpu.dot_dimension_numbers<[1], [0], [0], [1], [0, 0, 1, 1], [], []>, transpose_lhs_hint = false} : vector<824x128xf32>, vector<128x1xf32>, vector<824x1xf32> -> vector<824x1xf32>
    %add3A_67 = arith.addf %dot_general3A_66, %slice3A_58 : vector<824x1xf32>
    %add3A_68 = arith.addf %add3A_67, %add3A_25 : vector<824x1xf32>
    %lt3A = arith.constant 818 : i32
    %lt3A_69 = vector.broadcast %lt3A : i32 to vector<824x1xi32>
    %lt3A_70 = arith.cmpi slt, %iota3A, %lt3A_69 : vector<824x1xi32>
    %jit3A = arith.constant -1.000000e+09 : f32
    %broadcast_in_dim3A = vector.broadcast %jit3A : f32 to vector<824x1xf32>
    %select_n3A = arith.select %lt3A_70, %add3A_68, %broadcast_in_dim3A : vector<824x1xi1>, vector<824x1xf32>
    %swap3A = arith.constant 0 : index
    %swap3A_71 = arith.constant 0 : index
    %swap3A_72 = vector.load %arg9[%swap3A, %swap3A_71] : memref<824x51xf32, #tpu.memory_space<vmem>>, vector<824x1xf32>
    tpu.vector_store %arg9[%swap3A, %swap3A_71], %select_n3A {strides = array<i32>} : memref<824x51xf32, #tpu.memory_space<vmem>>, vector<824x1xf32>,
    %slice3A_73 = vector.extract_strided_slice %slice3A_34 {offsets = [0, 0], sizes = [824, 384], strides = [1, 1]} : vector<872x384xf32> to vector<824x384xf32>
    %slice3A_74 = vector.extract_strided_slice %slice3A_42 {offsets = [0, 0], sizes = [824, 128], strides = [1, 1]} : vector<872x128xf32> to vector<824x128xf32>
    %slice3A_75 = vector.extract_strided_slice %slice3A_50 {offsets = [0, 0], sizes = [824, 1], strides = [1, 1]} : vector<872x1xf32> to vector<824x1xf32>
    %add3A_76 = arith.addf %add3A_17, %slice3A_74 : vector<824x128xf32>
    %mul3A_77 = arith.mulf %slice3A_18, %slice3A_73 : vector<824x384xf32>
    %dot_general3A_78 = arith.constant dense<0.000000e+00> : vector<824x128xf32>
    %dot_general3A_79 = tpu.matmul %mul3A_77, %get3A_28, %dot_general3A_78 {dimension_numbers = #tpu.dot_dimension_numbers<[1], [0], [0], [1], [0, 0, 1, 1], [], []>, transpose_lhs_hint = false} : vector<824x384xf32>, vector<384x128xf32>, vector<824x128xf32> -> vector<824x128xf32>
    %add3A_80 = arith.addf %add3A_76, %dot_general3A_79 : vector<824x128xf32>
    %max3A_81 = arith.constant 0.000000e+00 : f32
    %max3A_82 = vector.broadcast %max3A_81 : f32 to vector<824x128xf32>
    %max3A_83 = arith.maximumf %add3A_80, %max3A_82 : vector<824x128xf32>
    %dot_general3A_84 = arith.constant dense<0.000000e+00> : vector<824x1xf32>
    %dot_general3A_85 = tpu.matmul %max3A_83, %get3A_31, %dot_general3A_84 {dimension_numbers = #tpu.dot_dimension_numbers<[1], [0], [0], [1], [0, 0, 1, 1], [], []>, transpose_lhs_hint = false} : vector<824x128xf32>, vector<128x1xf32>, vector<824x1xf32> -> vector<824x1xf32>
    %add3A_86 = arith.addf %dot_general3A_85, %slice3A_75 : vector<824x1xf32>
    %add3A_87 = arith.addf %add3A_86, %add3A_25 : vector<824x1xf32>
    %lt3A_88 = arith.constant 817 : i32
    %lt3A_89 = vector.broadcast %lt3A_88 : i32 to vector<824x1xi32>
    %lt3A_90 = arith.cmpi slt, %iota3A, %lt3A_89 : vector<824x1xi32>
    %jit3A_91 = arith.constant -1.000000e+09 : f32
    %broadcast_in_dim3A_92 = vector.broadcast %jit3A_91 : f32 to vector<824x1xf32>
    %select_n3A_93 = arith.select %lt3A_90, %add3A_87, %broadcast_in_dim3A_92 : vector<824x1xi1>, vector<824x1xf32>
    %swap3A_94 = arith.constant 0 : index
    %swap3A_95 = arith.constant 1 : index
    %swap3A_96 = vector.load %arg9[%swap3A_94, %swap3A_95] : memref<824x51xf32, #tpu.memory_space<vmem>>, vector<824x1xf32>
    tpu.vector_store %arg9[%swap3A_94, %swap3A_95], %select_n3A_93 {strides = array<i32>} : memref<824x51xf32, #tpu.memory_space<vmem>>, vector<824x1xf32>,
    %slice3A_97 = vector.extract_strided_slice %slice3A_35 {offsets = [0, 0], sizes = [824, 384], strides = [1, 1]} : vector<872x384xf32> to vector<824x384xf32>
    %slice3A_98 = vector.extract_strided_slice %slice3A_43 {offsets = [0, 0], sizes = [824, 128], strides = [1, 1]} : vector<872x128xf32> to vector<824x128xf32>
    %slice3A_99 = vector.extract_strided_slice %slice3A_51 {offsets = [0, 0], sizes = [824, 1], strides = [1, 1]} : vector<872x1xf32> to vector<824x1xf32>
    %add3A_100 = arith.addf %add3A_17, %slice3A_98 : vector<824x128xf32>
    %mul3A_101 = arith.mulf %slice3A_18, %slice3A_97 : vector<824x384xf32>
    %dot_general3A_102 = arith.constant dense<0.000000e+00> : vector<824x128xf32>
    %dot_general3A_103 = tpu.matmul %mul3A_101, %get3A_28, %dot_general3A_102 {dimension_numbers = #tpu.dot_dimension_numbers<[1], [0], [0], [1], [0, 0, 1, 1], [], []>, transpose_lhs_hint = false} : vector<824x384xf32>, vector<384x128xf32>, vector<824x128xf32> -> vector<824x128xf32>
    %add3A_104 = arith.addf %add3A_100, %dot_general3A_103 : vector<824x128xf32>
    %max3A_105 = arith.constant 0.000000e+00 : f32
    %max3A_106 = vector.broadcast %max3A_105 : f32 to vector<824x128xf32>
    %max3A_107 = arith.maximumf %add3A_104, %max3A_106 : vector<824x128xf32>
    %dot_general3A_108 = arith.constant dense<0.000000e+00> : vector<824x1xf32>
    %dot_general3A_109 = tpu.matmul %max3A_107, %get3A_31, %dot_general3A_108 {dimension_numbers = #tpu.dot_dimension_numbers<[1], [0], [0], [1], [0, 0, 1, 1], [], []>, transpose_lhs_hint = false} : vector<824x128xf32>, vector<128x1xf32>, vector<824x1xf32> -> vector<824x1xf32>
    %add3A_110 = arith.addf %dot_general3A_109, %slice3A_99 : vector<824x1xf32>
    %add3A_111 = arith.addf %add3A_110, %add3A_25 : vector<824x1xf32>
    %lt3A_112 = arith.constant 816 : i32
    %lt3A_113 = vector.broadcast %lt3A_112 : i32 to vector<824x1xi32>
    %lt3A_114 = arith.cmpi slt, %iota3A, %lt3A_113 : vector<824x1xi32>
    %jit3A_115 = arith.constant -1.000000e+09 : f32
    %broadcast_in_dim3A_116 = vector.broadcast %jit3A_115 : f32 to vector<824x1xf32>
    %select_n3A_117 = arith.select %lt3A_114, %add3A_111, %broadcast_in_dim3A_116 : vector<824x1xi1>, vector<824x1xf32>
    %swap3A_118 = arith.constant 0 : index
    %swap3A_119 = arith.constant 2 : index
    %swap3A_120 = vector.load %arg9[%swap3A_118, %swap3A_119] : memref<824x51xf32, #tpu.memory_space<vmem>>, vector<824x1xf32>
    tpu.vector_store %arg9[%swap3A_118, %swap3A_119], %select_n3A_117 {strides = array<i32>} : memref<824x51xf32, #tpu.memory_space<vmem>>, vector<824x1xf32>,
    %slice3A_121 = vector.extract_strided_slice %slice3A_36 {offsets = [0, 0], sizes = [824, 384], strides = [1, 1]} : vector<872x384xf32> to vector<824x384xf32>
    %slice3A_122 = vector.extract_strided_slice %slice3A_44 {offsets = [0, 0], sizes = [824, 128], strides = [1, 1]} : vector<872x128xf32> to vector<824x128xf32>
    %slice3A_123 = vector.extract_strided_slice %slice3A_52 {offsets = [0, 0], sizes = [824, 1], strides = [1, 1]} : vector<872x1xf32> to vector<824x1xf32>
    %add3A_124 = arith.addf %add3A_17, %slice3A_122 : vector<824x128xf32>
    %mul3A_125 = arith.mulf %slice3A_18, %slice3A_121 : vector<824x384xf32>
    %dot_general3A_126 = arith.constant dense<0.000000e+00> : vector<824x128xf32>
    %dot_general3A_127 = tpu.matmul %mul3A_125, %get3A_28, %dot_general3A_126 {dimension_numbers = #tpu.dot_dimension_numbers<[1], [0], [0], [1], [0, 0, 1, 1], [], []>, transpose_lhs_hint = false} : vector<824x384xf32>, vector<384x128xf32>, vector<824x128xf32> -> vector<824x128xf32>
    %add3A_128 = arith.addf %add3A_124, %dot_general3A_127 : vector<824x128xf32>
    %max3A_129 = arith.constant 0.000000e+00 : f32
    %max3A_130 = vector.broadcast %max3A_129 : f32 to vector<824x128xf32>
    %max3A_131 = arith.maximumf %add3A_128, %max3A_130 : vector<824x128xf32>
    %dot_general3A_132 = arith.constant dense<0.000000e+00> : vector<824x1xf32>
    %dot_general3A_133 = tpu.matmul %max3A_131, %get3A_31, %dot_general3A_132 {dimension_numbers = #tpu.dot_dimension_numbers<[1], [0], [0], [1], [0, 0, 1, 1], [], []>, transpose_lhs_hint = false} : vector<824x128xf32>, vector<128x1xf32>, vector<824x1xf32> -> vector<824x1xf32>
    %add3A_134 = arith.addf %dot_general3A_133, %slice3A_123 : vector<824x1xf32>
    %add3A_135 = arith.addf %add3A_134, %add3A_25 : vector<824x1xf32>
    %lt3A_136 = arith.constant 815 : i32
    %lt3A_137 = vector.broadcast %lt3A_136 : i32 to vector<824x1xi32>
    %lt3A_138 = arith.cmpi slt, %iota3A, %lt3A_137 : vector<824x1xi32>
    %jit3A_139 = arith.constant -1.000000e+09 : f32
    %broadcast_in_dim3A_140 = vector.broadcast %jit3A_139 : f32 to vector<824x1xf32>
    %select_n3A_141 = arith.select %lt3A_138, %add3A_135, %broadcast_in_dim3A_140 : vector<824x1xi1>, vector<824x1xf32>
    %swap3A_142 = arith.constant 0 : index
    %swap3A_143 = arith.constant 3 : index
    %swap3A_144 = vector.load %arg9[%swap3A_142, %swap3A_143] : memref<824x51xf32, #tpu.memory_space<vmem>>, vector<824x1xf32>
    tpu.vector_store %arg9[%swap3A_142, %swap3A_143], %select_n3A_141 {strides = array<i32>} : memref<824x51xf32, #tpu.memory_space<vmem>>, vector<824x1xf32>,
    %slice3A_145 = vector.extract_strided_slice %slice3A_37 {offsets = [0, 0], sizes = [824, 384], strides = [1, 1]} : vector<872x384xf32> to vector<824x384xf32>
    %slice3A_146 = vector.extract_strided_slice %slice3A_45 {offsets = [0, 0], sizes = [824, 128], strides = [1, 1]} : vector<872x128xf32> to vector<824x128xf32>
    %slice3A_147 = vector.extract_strided_slice %slice3A_53 {offsets = [0, 0], sizes = [824, 1], strides = [1, 1]} : vector<872x1xf32> to vector<824x1xf32>
    %add3A_148 = arith.addf %add3A_17, %slice3A_146 : vector<824x128xf32>
    %mul3A_149 = arith.mulf %slice3A_18, %slice3A_145 : vector<824x384xf32>
    %dot_general3A_150 = arith.constant dense<0.000000e+00> : vector<824x128xf32>
    %dot_general3A_151 = tpu.matmul %mul3A_149, %get3A_28, %dot_general3A_150 {dimension_numbers = #tpu.dot_dimension_numbers<[1], [0], [0], [1], [0, 0, 1, 1], [], []>, transpose_lhs_hint = false} : vector<824x384xf32>, vector<384x128xf32>, vector<824x128xf32> -> vector<824x128xf32>
    %add3A_152 = arith.addf %add3A_148, %dot_general3A_151 : vector<824x128xf32>
    %max3A_153 = arith.constant 0.000000e+00 : f32
    %max3A_154 = vector.broadcast %max3A_153 : f32 to vector<824x128xf32>
    %max3A_155 = arith.maximumf %add3A_152, %max3A_154 : vector<824x128xf32>
    %dot_general3A_156 = arith.constant dense<0.000000e+00> : vector<824x1xf32>
    %dot_general3A_157 = tpu.matmul %max3A_155, %get3A_31, %dot_general3A_156 {dimension_numbers = #tpu.dot_dimension_numbers<[1], [0], [0], [1], [0, 0, 1, 1], [], []>, transpose_lhs_hint = false} : vector<824x128xf32>, vector<128x1xf32>, vector<824x1xf32> -> vector<824x1xf32>
    %add3A_158 = arith.addf %dot_general3A_157, %slice3A_147 : vector<824x1xf32>
    %add3A_159 = arith.addf %add3A_158, %add3A_25 : vector<824x1xf32>
    %lt3A_160 = arith.constant 814 : i32
    %lt3A_161 = vector.broadcast %lt3A_160 : i32 to vector<824x1xi32>
    %lt3A_162 = arith.cmpi slt, %iota3A, %lt3A_161 : vector<824x1xi32>
    %jit3A_163 = arith.constant -1.000000e+09 : f32
    %broadcast_in_dim3A_164 = vector.broadcast %jit3A_163 : f32 to vector<824x1xf32>
    %select_n3A_165 = arith.select %lt3A_162, %add3A_159, %broadcast_in_dim3A_164 : vector<824x1xi1>, vector<824x1xf32>
    %swap3A_166 = arith.constant 0 : index
    %swap3A_167 = arith.constant 4 : index
    %swap3A_168 = vector.load %arg9[%swap3A_166, %swap3A_167] : memref<824x51xf32, #tpu.memory_space<vmem>>, vector<824x1xf32>
    tpu.vector_store %arg9[%swap3A_166, %swap3A_167], %select_n3A_165 {strides = array<i32>} : memref<824x51xf32, #tpu.memory_space<vmem>>, vector<824x1xf32>,
    %slice3A_169 = vector.extract_strided_slice %slice3A_38 {offsets = [0, 0], sizes = [824, 384], strides = [1, 1]} : vector<872x384xf32> to vector<824x384xf32>
    %slice3A_170 = vector.extract_strided_slice %slice3A_46 {offsets = [0, 0], sizes = [824, 128], strides = [1, 1]} : vector<872x128xf32> to vector<824x128xf32>
    %slice3A_171 = vector.extract_strided_slice %slice3A_54 {offsets = [0, 0], sizes = [824, 1], strides = [1, 1]} : vector<872x1xf32> to vector<824x1xf32>
    %add3A_172 = arith.addf %add3A_17, %slice3A_170 : vector<824x128xf32>
    %mul3A_173 = arith.mulf %slice3A_18, %slice3A_169 : vector<824x384xf32>
    %dot_general3A_174 = arith.constant dense<0.000000e+00> : vector<824x128xf32>
    %dot_general3A_175 = tpu.matmul %mul3A_173, %get3A_28, %dot_general3A_174 {dimension_numbers = #tpu.dot_dimension_numbers<[1], [0], [0], [1], [0, 0, 1, 1], [], []>, transpose_lhs_hint = false} : vector<824x384xf32>, vector<384x128xf32>, vector<824x128xf32> -> vector<824x128xf32>
    %add3A_176 = arith.addf %add3A_172, %dot_general3A_175 : vector<824x128xf32>
    %max3A_177 = arith.constant 0.000000e+00 : f32
    %max3A_178 = vector.broadcast %max3A_177 : f32 to vector<824x128xf32>
    %max3A_179 = arith.maximumf %add3A_176, %max3A_178 : vector<824x128xf32>
    %dot_general3A_180 = arith.constant dense<0.000000e+00> : vector<824x1xf32>
    %dot_general3A_181 = tpu.matmul %max3A_179, %get3A_31, %dot_general3A_180 {dimension_numbers = #tpu.dot_dimension_numbers<[1], [0], [0], [1], [0, 0, 1, 1], [], []>, transpose_lhs_hint = false} : vector<824x128xf32>, vector<128x1xf32>, vector<824x1xf32> -> vector<824x1xf32>
    %add3A_182 = arith.addf %dot_general3A_181, %slice3A_171 : vector<824x1xf32>
    %add3A_183 = arith.addf %add3A_182, %add3A_25 : vector<824x1xf32>
    %lt3A_184 = arith.constant 813 : i32
    %lt3A_185 = vector.broadcast %lt3A_184 : i32 to vector<824x1xi32>
    %lt3A_186 = arith.cmpi slt, %iota3A, %lt3A_185 : vector<824x1xi32>
    %jit3A_187 = arith.constant -1.000000e+09 : f32
    %broadcast_in_dim3A_188 = vector.broadcast %jit3A_187 : f32 to vector<824x1xf32>
    %select_n3A_189 = arith.select %lt3A_186, %add3A_183, %broadcast_in_dim3A_188 : vector<824x1xi1>, vector<824x1xf32>
    %swap3A_190 = arith.constant 0 : index
    %swap3A_191 = arith.constant 5 : index
    %swap3A_192 = vector.load %arg9[%swap3A_190, %swap3A_191] : memref<824x51xf32, #tpu.memory_space<vmem>>, vector<824x1xf32>
    tpu.vector_store %arg9[%swap3A_190, %swap3A_191], %select_n3A_189 {strides = array<i32>} : memref<824x51xf32, #tpu.memory_space<vmem>>, vector<824x1xf32>,
    %slice3A_193 = vector.extract_strided_slice %slice3A_39 {offsets = [0, 0], sizes = [824, 384], strides = [1, 1]} : vector<872x384xf32> to vector<824x384xf32>
    %slice3A_194 = vector.extract_strided_slice %slice3A_47 {offsets = [0, 0], sizes = [824, 128], strides = [1, 1]} : vector<872x128xf32> to vector<824x128xf32>
    %slice3A_195 = vector.extract_strided_slice %slice3A_55 {offsets = [0, 0], sizes = [824, 1], strides = [1, 1]} : vector<872x1xf32> to vector<824x1xf32>
    %add3A_196 = arith.addf %add3A_17, %slice3A_194 : vector<824x128xf32>
    %mul3A_197 = arith.mulf %slice3A_18, %slice3A_193 : vector<824x384xf32>
    %dot_general3A_198 = arith.constant dense<0.000000e+00> : vector<824x128xf32>
    %dot_general3A_199 = tpu.matmul %mul3A_197, %get3A_28, %dot_general3A_198 {dimension_numbers = #tpu.dot_dimension_numbers<[1], [0], [0], [1], [0, 0, 1, 1], [], []>, transpose_lhs_hint = false} : vector<824x384xf32>, vector<384x128xf32>, vector<824x128xf32> -> vector<824x128xf32>
    %add3A_200 = arith.addf %add3A_196, %dot_general3A_199 : vector<824x128xf32>
    %max3A_201 = arith.constant 0.000000e+00 : f32
    %max3A_202 = vector.broadcast %max3A_201 : f32 to vector<824x128xf32>
    %max3A_203 = arith.maximumf %add3A_200, %max3A_202 : vector<824x128xf32>
    %dot_general3A_204 = arith.constant dense<0.000000e+00> : vector<824x1xf32>
    %dot_general3A_205 = tpu.matmul %max3A_203, %get3A_31, %dot_general3A_204 {dimension_numbers = #tpu.dot_dimension_numbers<[1], [0], [0], [1], [0, 0, 1, 1], [], []>, transpose_lhs_hint = false} : vector<824x128xf32>, vector<128x1xf32>, vector<824x1xf32> -> vector<824x1xf32>
    %add3A_206 = arith.addf %dot_general3A_205, %slice3A_195 : vector<824x1xf32>
    %add3A_207 = arith.addf %add3A_206, %add3A_25 : vector<824x1xf32>
    %lt3A_208 = arith.constant 812 : i32
    %lt3A_209 = vector.broadcast %lt3A_208 : i32 to vector<824x1xi32>
    %lt3A_210 = arith.cmpi slt, %iota3A, %lt3A_209 : vector<824x1xi32>
    %jit3A_211 = arith.constant -1.000000e+09 : f32
    %broadcast_in_dim3A_212 = vector.broadcast %jit3A_211 : f32 to vector<824x1xf32>
    %select_n3A_213 = arith.select %lt3A_210, %add3A_207, %broadcast_in_dim3A_212 : vector<824x1xi1>, vector<824x1xf32>
    %swap3A_214 = arith.constant 0 : index
    %swap3A_215 = arith.constant 6 : index
    %swap3A_216 = vector.load %arg9[%swap3A_214, %swap3A_215] : memref<824x51xf32, #tpu.memory_space<vmem>>, vector<824x1xf32>
    tpu.vector_store %arg9[%swap3A_214, %swap3A_215], %select_n3A_213 {strides = array<i32>} : memref<824x51xf32, #tpu.memory_space<vmem>>, vector<824x1xf32>,
    %slice3A_217 = vector.extract_strided_slice %slice3A_32 {offsets = [8, 0], sizes = [824, 384], strides = [1, 1]} : vector<872x384xf32> to vector<824x384xf32>
    %slice3A_218 = vector.extract_strided_slice %slice3A_40 {offsets = [8, 0], sizes = [824, 128], strides = [1, 1]} : vector<872x128xf32> to vector<824x128xf32>
    %slice3A_219 = vector.extract_strided_slice %slice3A_48 {offsets = [8, 0], sizes = [824, 1], strides = [1, 1]} : vector<872x1xf32> to vector<824x1xf32>
    %add3A_220 = arith.addf %add3A_17, %slice3A_218 : vector<824x128xf32>
    %mul3A_221 = arith.mulf %slice3A_18, %slice3A_217 : vector<824x384xf32>
    %dot_general3A_222 = arith.constant dense<0.000000e+00> : vector<824x128xf32>
    %dot_general3A_223 = tpu.matmul %mul3A_221, %get3A_28, %dot_general3A_222 {dimension_numbers = #tpu.dot_dimension_numbers<[1], [0], [0], [1], [0, 0, 1, 1], [], []>, transpose_lhs_hint = false} : vector<824x384xf32>, vector<384x128xf32>, vector<824x128xf32> -> vector<824x128xf32>
    %add3A_224 = arith.addf %add3A_220, %dot_general3A_223 : vector<824x128xf32>
    %max3A_225 = arith.constant 0.000000e+00 : f32
    %max3A_226 = vector.broadcast %max3A_225 : f32 to vector<824x128xf32>
    %max3A_227 = arith.maximumf %add3A_224, %max3A_226 : vector<824x128xf32>
    %dot_general3A_228 = arith.constant dense<0.000000e+00> : vector<824x1xf32>
    %dot_general3A_229 = tpu.matmul %max3A_227, %get3A_31, %dot_general3A_228 {dimension_numbers = #tpu.dot_dimension_numbers<[1], [0], [0], [1], [0, 0, 1, 1], [], []>, transpose_lhs_hint = false} : vector<824x128xf32>, vector<128x1xf32>, vector<824x1xf32> -> vector<824x1xf32>
    %add3A_230 = arith.addf %dot_general3A_229, %slice3A_219 : vector<824x1xf32>
    %add3A_231 = arith.addf %add3A_230, %add3A_25 : vector<824x1xf32>
    %lt3A_232 = arith.constant 811 : i32
    %lt3A_233 = vector.broadcast %lt3A_232 : i32 to vector<824x1xi32>
    %lt3A_234 = arith.cmpi slt, %iota3A, %lt3A_233 : vector<824x1xi32>
    %jit3A_235 = arith.constant -1.000000e+09 : f32
    %broadcast_in_dim3A_236 = vector.broadcast %jit3A_235 : f32 to vector<824x1xf32>
    %select_n3A_237 = arith.select %lt3A_234, %add3A_231, %broadcast_in_dim3A_236 : vector<824x1xi1>, vector<824x1xf32>
    %swap3A_238 = arith.constant 0 : index
    %swap3A_239 = arith.constant 7 : index
    %swap3A_240 = vector.load %arg9[%swap3A_238, %swap3A_239] : memref<824x51xf32, #tpu.memory_space<vmem>>, vector<824x1xf32>
    tpu.vector_store %arg9[%swap3A_238, %swap3A_239], %select_n3A_237 {strides = array<i32>} : memref<824x51xf32, #tpu.memory_space<vmem>>, vector<824x1xf32>,
    %slice3A_241 = vector.extract_strided_slice %slice3A_33 {offsets = [8, 0], sizes = [824, 384], strides = [1, 1]} : vector<872x384xf32> to vector<824x384xf32>
    %slice3A_242 = vector.extract_strided_slice %slice3A_41 {offsets = [8, 0], sizes = [824, 128], strides = [1, 1]} : vector<872x128xf32> to vector<824x128xf32>
    %slice3A_243 = vector.extract_strided_slice %slice3A_49 {offsets = [8, 0], sizes = [824, 1], strides = [1, 1]} : vector<872x1xf32> to vector<824x1xf32>
    %add3A_244 = arith.addf %add3A_17, %slice3A_242 : vector<824x128xf32>
    %mul3A_245 = arith.mulf %slice3A_18, %slice3A_241 : vector<824x384xf32>
    %dot_general3A_246 = arith.constant dense<0.000000e+00> : vector<824x128xf32>
    %dot_general3A_247 = tpu.matmul %mul3A_245, %get3A_28, %dot_general3A_246 {dimension_numbers = #tpu.dot_dimension_numbers<[1], [0], [0], [1], [0, 0, 1, 1], [], []>, transpose_lhs_hint = false} : vector<824x384xf32>, vector<384x128xf32>, vector<824x128xf32> -> vector<824x128xf32>
    %add3A_248 = arith.addf %add3A_244, %dot_general3A_247 : vector<824x128xf32>
    %max3A_249 = arith.constant 0.000000e+00 : f32
    %max3A_250 = vector.broadcast %max3A_249 : f32 to vector<824x128xf32>
    %max3A_251 = arith.maximumf %add3A_248, %max3A_250 : vector<824x128xf32>
    %dot_general3A_252 = arith.constant dense<0.000000e+00> : vector<824x1xf32>
    %dot_general3A_253 = tpu.matmul %max3A_251, %get3A_31, %dot_general3A_252 {dimension_numbers = #tpu.dot_dimension_numbers<[1], [0], [0], [1], [0, 0, 1, 1], [], []>, transpose_lhs_hint = false} : vector<824x128xf32>, vector<128x1xf32>, vector<824x1xf32> -> vector<824x1xf32>
    %add3A_254 = arith.addf %dot_general3A_253, %slice3A_243 : vector<824x1xf32>
    %add3A_255 = arith.addf %add3A_254, %add3A_25 : vector<824x1xf32>
    %lt3A_256 = arith.constant 810 : i32
    %lt3A_257 = vector.broadcast %lt3A_256 : i32 to vector<824x1xi32>
    %lt3A_258 = arith.cmpi slt, %iota3A, %lt3A_257 : vector<824x1xi32>
    %jit3A_259 = arith.constant -1.000000e+09 : f32
    %broadcast_in_dim3A_260 = vector.broadcast %jit3A_259 : f32 to vector<824x1xf32>
    %select_n3A_261 = arith.select %lt3A_258, %add3A_255, %broadcast_in_dim3A_260 : vector<824x1xi1>, vector<824x1xf32>
    %swap3A_262 = arith.constant 0 : index
    %swap3A_263 = arith.constant 8 : index
    %swap3A_264 = vector.load %arg9[%swap3A_262, %swap3A_263] : memref<824x51xf32, #tpu.memory_space<vmem>>, vector<824x1xf32>
    tpu.vector_store %arg9[%swap3A_262, %swap3A_263], %select_n3A_261 {strides = array<i32>} : memref<824x51xf32, #tpu.memory_space<vmem>>, vector<824x1xf32>,
    %slice3A_265 = vector.extract_strided_slice %slice3A_34 {offsets = [8, 0], sizes = [824, 384], strides = [1, 1]} : vector<872x384xf32> to vector<824x384xf32>
    %slice3A_266 = vector.extract_strided_slice %slice3A_42 {offsets = [8, 0], sizes = [824, 128], strides = [1, 1]} : vector<872x128xf32> to vector<824x128xf32>
    %slice3A_267 = vector.extract_strided_slice %slice3A_50 {offsets = [8, 0], sizes = [824, 1], strides = [1, 1]} : vector<872x1xf32> to vector<824x1xf32>
    %add3A_268 = arith.addf %add3A_17, %slice3A_266 : vector<824x128xf32>
    %mul3A_269 = arith.mulf %slice3A_18, %slice3A_265 : vector<824x384xf32>
    %dot_general3A_270 = arith.constant dense<0.000000e+00> : vector<824x128xf32>
    %dot_general3A_271 = tpu.matmul %mul3A_269, %get3A_28, %dot_general3A_270 {dimension_numbers = #tpu.dot_dimension_numbers<[1], [0], [0], [1], [0, 0, 1, 1], [], []>, transpose_lhs_hint = false} : vector<824x384xf32>, vector<384x128xf32>, vector<824x128xf32> -> vector<824x128xf32>
    %add3A_272 = arith.addf %add3A_268, %dot_general3A_271 : vector<824x128xf32>
    %max3A_273 = arith.constant 0.000000e+00 : f32
    %max3A_274 = vector.broadcast %max3A_273 : f32 to vector<824x128xf32>
    %max3A_275 = arith.maximumf %add3A_272, %max3A_274 : vector<824x128xf32>
    %dot_general3A_276 = arith.constant dense<0.000000e+00> : vector<824x1xf32>
    %dot_general3A_277 = tpu.matmul %max3A_275, %get3A_31, %dot_general3A_276 {dimension_numbers = #tpu.dot_dimension_numbers<[1], [0], [0], [1], [0, 0, 1, 1], [], []>, transpose_lhs_hint = false} : vector<824x128xf32>, vector<128x1xf32>, vector<824x1xf32> -> vector<824x1xf32>
    %add3A_278 = arith.addf %dot_general3A_277, %slice3A_267 : vector<824x1xf32>
    %add3A_279 = arith.addf %add3A_278, %add3A_25 : vector<824x1xf32>
    %lt3A_280 = arith.constant 809 : i32
    %lt3A_281 = vector.broadcast %lt3A_280 : i32 to vector<824x1xi32>
    %lt3A_282 = arith.cmpi slt, %iota3A, %lt3A_281 : vector<824x1xi32>
    %jit3A_283 = arith.constant -1.000000e+09 : f32
    %broadcast_in_dim3A_284 = vector.broadcast %jit3A_283 : f32 to vector<824x1xf32>
    %select_n3A_285 = arith.select %lt3A_282, %add3A_279, %broadcast_in_dim3A_284 : vector<824x1xi1>, vector<824x1xf32>
    %swap3A_286 = arith.constant 0 : index
    %swap3A_287 = arith.constant 9 : index
    %swap3A_288 = vector.load %arg9[%swap3A_286, %swap3A_287] : memref<824x51xf32, #tpu.memory_space<vmem>>, vector<824x1xf32>
    tpu.vector_store %arg9[%swap3A_286, %swap3A_287], %select_n3A_285 {strides = array<i32>} : memref<824x51xf32, #tpu.memory_space<vmem>>, vector<824x1xf32>,
    %slice3A_289 = vector.extract_strided_slice %slice3A_35 {offsets = [8, 0], sizes = [824, 384], strides = [1, 1]} : vector<872x384xf32> to vector<824x384xf32>
    %slice3A_290 = vector.extract_strided_slice %slice3A_43 {offsets = [8, 0], sizes = [824, 128], strides = [1, 1]} : vector<872x128xf32> to vector<824x128xf32>
    %slice3A_291 = vector.extract_strided_slice %slice3A_51 {offsets = [8, 0], sizes = [824, 1], strides = [1, 1]} : vector<872x1xf32> to vector<824x1xf32>
    %add3A_292 = arith.addf %add3A_17, %slice3A_290 : vector<824x128xf32>
    %mul3A_293 = arith.mulf %slice3A_18, %slice3A_289 : vector<824x384xf32>
    %dot_general3A_294 = arith.constant dense<0.000000e+00> : vector<824x128xf32>
    %dot_general3A_295 = tpu.matmul %mul3A_293, %get3A_28, %dot_general3A_294 {dimension_numbers = #tpu.dot_dimension_numbers<[1], [0], [0], [1], [0, 0, 1, 1], [], []>, transpose_lhs_hint = false} : vector<824x384xf32>, vector<384x128xf32>, vector<824x128xf32> -> vector<824x128xf32>
    %add3A_296 = arith.addf %add3A_292, %dot_general3A_295 : vector<824x128xf32>
    %max3A_297 = arith.constant 0.000000e+00 : f32
    %max3A_298 = vector.broadcast %max3A_297 : f32 to vector<824x128xf32>
    %max3A_299 = arith.maximumf %add3A_296, %max3A_298 : vector<824x128xf32>
    %dot_general3A_300 = arith.constant dense<0.000000e+00> : vector<824x1xf32>
    %dot_general3A_301 = tpu.matmul %max3A_299, %get3A_31, %dot_general3A_300 {dimension_numbers = #tpu.dot_dimension_numbers<[1], [0], [0], [1], [0, 0, 1, 1], [], []>, transpose_lhs_hint = false} : vector<824x128xf32>, vector<128x1xf32>, vector<824x1xf32> -> vector<824x1xf32>
    %add3A_302 = arith.addf %dot_general3A_301, %slice3A_291 : vector<824x1xf32>
    %add3A_303 = arith.addf %add3A_302, %add3A_25 : vector<824x1xf32>
    %lt3A_304 = arith.constant 808 : i32
    %lt3A_305 = vector.broadcast %lt3A_304 : i32 to vector<824x1xi32>
    %lt3A_306 = arith.cmpi slt, %iota3A, %lt3A_305 : vector<824x1xi32>
    %jit3A_307 = arith.constant -1.000000e+09 : f32
    %broadcast_in_dim3A_308 = vector.broadcast %jit3A_307 : f32 to vector<824x1xf32>
    %select_n3A_309 = arith.select %lt3A_306, %add3A_303, %broadcast_in_dim3A_308 : vector<824x1xi1>, vector<824x1xf32>
    %swap3A_310 = arith.constant 0 : index
    %swap3A_311 = arith.constant 10 : index
    %swap3A_312 = vector.load %arg9[%swap3A_310, %swap3A_311] : memref<824x51xf32, #tpu.memory_space<vmem>>, vector<824x1xf32>
    tpu.vector_store %arg9[%swap3A_310, %swap3A_311], %select_n3A_309 {strides = array<i32>} : memref<824x51xf32, #tpu.memory_space<vmem>>, vector<824x1xf32>,
    %slice3A_313 = vector.extract_strided_slice %slice3A_36 {offsets = [8, 0], sizes = [824, 384], strides = [1, 1]} : vector<872x384xf32> to vector<824x384xf32>
    %slice3A_314 = vector.extract_strided_slice %slice3A_44 {offsets = [8, 0], sizes = [824, 128], strides = [1, 1]} : vector<872x128xf32> to vector<824x128xf32>
    %slice3A_315 = vector.extract_strided_slice %slice3A_52 {offsets = [8, 0], sizes = [824, 1], strides = [1, 1]} : vector<872x1xf32> to vector<824x1xf32>
    %add3A_316 = arith.addf %add3A_17, %slice3A_314 : vector<824x128xf32>
    %mul3A_317 = arith.mulf %slice3A_18, %slice3A_313 : vector<824x384xf32>
    %dot_general3A_318 = arith.constant dense<0.000000e+00> : vector<824x128xf32>
    %dot_general3A_319 = tpu.matmul %mul3A_317, %get3A_28, %dot_general3A_318 {dimension_numbers = #tpu.dot_dimension_numbers<[1], [0], [0], [1], [0, 0, 1, 1], [], []>, transpose_lhs_hint = false} : vector<824x384xf32>, vector<384x128xf32>, vector<824x128xf32> -> vector<824x128xf32>
    %add3A_320 = arith.addf %add3A_316, %dot_general3A_319 : vector<824x128xf32>
    %max3A_321 = arith.constant 0.000000e+00 : f32
    %max3A_322 = vector.broadcast %max3A_321 : f32 to vector<824x128xf32>
    %max3A_323 = arith.maximumf %add3A_320, %max3A_322 : vector<824x128xf32>
    %dot_general3A_324 = arith.constant dense<0.000000e+00> : vector<824x1xf32>
    %dot_general3A_325 = tpu.matmul %max3A_323, %get3A_31, %dot_general3A_324 {dimension_numbers = #tpu.dot_dimension_numbers<[1], [0], [0], [1], [0, 0, 1, 1], [], []>, transpose_lhs_hint = false} : vector<824x128xf32>, vector<128x1xf32>, vector<824x1xf32> -> vector<824x1xf32>
    %add3A_326 = arith.addf %dot_general3A_325, %slice3A_315 : vector<824x1xf32>
    %add3A_327 = arith.addf %add3A_326, %add3A_25 : vector<824x1xf32>
    %lt3A_328 = arith.constant 807 : i32
    %lt3A_329 = vector.broadcast %lt3A_328 : i32 to vector<824x1xi32>
    %lt3A_330 = arith.cmpi slt, %iota3A, %lt3A_329 : vector<824x1xi32>
    %jit3A_331 = arith.constant -1.000000e+09 : f32
    %broadcast_in_dim3A_332 = vector.broadcast %jit3A_331 : f32 to vector<824x1xf32>
    %select_n3A_333 = arith.select %lt3A_330, %add3A_327, %broadcast_in_dim3A_332 : vector<824x1xi1>, vector<824x1xf32>
    %swap3A_334 = arith.constant 0 : index
    %swap3A_335 = arith.constant 11 : index
    %swap3A_336 = vector.load %arg9[%swap3A_334, %swap3A_335] : memref<824x51xf32, #tpu.memory_space<vmem>>, vector<824x1xf32>
    tpu.vector_store %arg9[%swap3A_334, %swap3A_335], %select_n3A_333 {strides = array<i32>} : memref<824x51xf32, #tpu.memory_space<vmem>>, vector<824x1xf32>,
    %slice3A_337 = vector.extract_strided_slice %slice3A_37 {offsets = [8, 0], sizes = [824, 384], strides = [1, 1]} : vector<872x384xf32> to vector<824x384xf32>
    %slice3A_338 = vector.extract_strided_slice %slice3A_45 {offsets = [8, 0], sizes = [824, 128], strides = [1, 1]} : vector<872x128xf32> to vector<824x128xf32>
    %slice3A_339 = vector.extract_strided_slice %slice3A_53 {offsets = [8, 0], sizes = [824, 1], strides = [1, 1]} : vector<872x1xf32> to vector<824x1xf32>
    %add3A_340 = arith.addf %add3A_17, %slice3A_338 : vector<824x128xf32>
    %mul3A_341 = arith.mulf %slice3A_18, %slice3A_337 : vector<824x384xf32>
    %dot_general3A_342 = arith.constant dense<0.000000e+00> : vector<824x128xf32>
    %dot_general3A_343 = tpu.matmul %mul3A_341, %get3A_28, %dot_general3A_342 {dimension_numbers = #tpu.dot_dimension_numbers<[1], [0], [0], [1], [0, 0, 1, 1], [], []>, transpose_lhs_hint = false} : vector<824x384xf32>, vector<384x128xf32>, vector<824x128xf32> -> vector<824x128xf32>
    %add3A_344 = arith.addf %add3A_340, %dot_general3A_343 : vector<824x128xf32>
    %max3A_345 = arith.constant 0.000000e+00 : f32
    %max3A_346 = vector.broadcast %max3A_345 : f32 to vector<824x128xf32>
    %max3A_347 = arith.maximumf %add3A_344, %max3A_346 : vector<824x128xf32>
    %dot_general3A_348 = arith.constant dense<0.000000e+00> : vector<824x1xf32>
    %dot_general3A_349 = tpu.matmul %max3A_347, %get3A_31, %dot_general3A_348 {dimension_numbers = #tpu.dot_dimension_numbers<[1], [0], [0], [1], [0, 0, 1, 1], [], []>, transpose_lhs_hint = false} : vector<824x128xf32>, vector<128x1xf32>, vector<824x1xf32> -> vector<824x1xf32>
    %add3A_350 = arith.addf %dot_general3A_349, %slice3A_339 : vector<824x1xf32>
    %add3A_351 = arith.addf %add3A_350, %add3A_25 : vector<824x1xf32>
    %lt3A_352 = arith.constant 806 : i32
    %lt3A_353 = vector.broadcast %lt3A_352 : i32 to vector<824x1xi32>
    %lt3A_354 = arith.cmpi slt, %iota3A, %lt3A_353 : vector<824x1xi32>
    %jit3A_355 = arith.constant -1.000000e+09 : f32
    %broadcast_in_dim3A_356 = vector.broadcast %jit3A_355 : f32 to vector<824x1xf32>
    %select_n3A_357 = arith.select %lt3A_354, %add3A_351, %broadcast_in_dim3A_356 : vector<824x1xi1>, vector<824x1xf32>
    %swap3A_358 = arith.constant 0 : index
    %swap3A_359 = arith.constant 12 : index
    %swap3A_360 = vector.load %arg9[%swap3A_358, %swap3A_359] : memref<824x51xf32, #tpu.memory_space<vmem>>, vector<824x1xf32>
    tpu.vector_store %arg9[%swap3A_358, %swap3A_359], %select_n3A_357 {strides = array<i32>} : memref<824x51xf32, #tpu.memory_space<vmem>>, vector<824x1xf32>,
    %slice3A_361 = vector.extract_strided_slice %slice3A_38 {offsets = [8, 0], sizes = [824, 384], strides = [1, 1]} : vector<872x384xf32> to vector<824x384xf32>
    %slice3A_362 = vector.extract_strided_slice %slice3A_46 {offsets = [8, 0], sizes = [824, 128], strides = [1, 1]} : vector<872x128xf32> to vector<824x128xf32>
    %slice3A_363 = vector.extract_strided_slice %slice3A_54 {offsets = [8, 0], sizes = [824, 1], strides = [1, 1]} : vector<872x1xf32> to vector<824x1xf32>
    %add3A_364 = arith.addf %add3A_17, %slice3A_362 : vector<824x128xf32>
    %mul3A_365 = arith.mulf %slice3A_18, %slice3A_361 : vector<824x384xf32>
    %dot_general3A_366 = arith.constant dense<0.000000e+00> : vector<824x128xf32>
    %dot_general3A_367 = tpu.matmul %mul3A_365, %get3A_28, %dot_general3A_366 {dimension_numbers = #tpu.dot_dimension_numbers<[1], [0], [0], [1], [0, 0, 1, 1], [], []>, transpose_lhs_hint = false} : vector<824x384xf32>, vector<384x128xf32>, vector<824x128xf32> -> vector<824x128xf32>
    %add3A_368 = arith.addf %add3A_364, %dot_general3A_367 : vector<824x128xf32>
    %max3A_369 = arith.constant 0.000000e+00 : f32
    %max3A_370 = vector.broadcast %max3A_369 : f32 to vector<824x128xf32>
    %max3A_371 = arith.maximumf %add3A_368, %max3A_370 : vector<824x128xf32>
    %dot_general3A_372 = arith.constant dense<0.000000e+00> : vector<824x1xf32>
    %dot_general3A_373 = tpu.matmul %max3A_371, %get3A_31, %dot_general3A_372 {dimension_numbers = #tpu.dot_dimension_numbers<[1], [0], [0], [1], [0, 0, 1, 1], [], []>, transpose_lhs_hint = false} : vector<824x128xf32>, vector<128x1xf32>, vector<824x1xf32> -> vector<824x1xf32>
    %add3A_374 = arith.addf %dot_general3A_373, %slice3A_363 : vector<824x1xf32>
    %add3A_375 = arith.addf %add3A_374, %add3A_25 : vector<824x1xf32>
    %lt3A_376 = arith.constant 805 : i32
    %lt3A_377 = vector.broadcast %lt3A_376 : i32 to vector<824x1xi32>
    %lt3A_378 = arith.cmpi slt, %iota3A, %lt3A_377 : vector<824x1xi32>
    %jit3A_379 = arith.constant -1.000000e+09 : f32
    %broadcast_in_dim3A_380 = vector.broadcast %jit3A_379 : f32 to vector<824x1xf32>
    %select_n3A_381 = arith.select %lt3A_378, %add3A_375, %broadcast_in_dim3A_380 : vector<824x1xi1>, vector<824x1xf32>
    %swap3A_382 = arith.constant 0 : index
    %swap3A_383 = arith.constant 13 : index
    %swap3A_384 = vector.load %arg9[%swap3A_382, %swap3A_383] : memref<824x51xf32, #tpu.memory_space<vmem>>, vector<824x1xf32>
    tpu.vector_store %arg9[%swap3A_382, %swap3A_383], %select_n3A_381 {strides = array<i32>} : memref<824x51xf32, #tpu.memory_space<vmem>>, vector<824x1xf32>,
    %slice3A_385 = vector.extract_strided_slice %slice3A_39 {offsets = [8, 0], sizes = [824, 384], strides = [1, 1]} : vector<872x384xf32> to vector<824x384xf32>
    %slice3A_386 = vector.extract_strided_slice %slice3A_47 {offsets = [8, 0], sizes = [824, 128], strides = [1, 1]} : vector<872x128xf32> to vector<824x128xf32>
    %slice3A_387 = vector.extract_strided_slice %slice3A_55 {offsets = [8, 0], sizes = [824, 1], strides = [1, 1]} : vector<872x1xf32> to vector<824x1xf32>
    %add3A_388 = arith.addf %add3A_17, %slice3A_386 : vector<824x128xf32>
    %mul3A_389 = arith.mulf %slice3A_18, %slice3A_385 : vector<824x384xf32>
    %dot_general3A_390 = arith.constant dense<0.000000e+00> : vector<824x128xf32>
    %dot_general3A_391 = tpu.matmul %mul3A_389, %get3A_28, %dot_general3A_390 {dimension_numbers = #tpu.dot_dimension_numbers<[1], [0], [0], [1], [0, 0, 1, 1], [], []>, transpose_lhs_hint = false} : vector<824x384xf32>, vector<384x128xf32>, vector<824x128xf32> -> vector<824x128xf32>
    %add3A_392 = arith.addf %add3A_388, %dot_general3A_391 : vector<824x128xf32>
    %max3A_393 = arith.constant 0.000000e+00 : f32
    %max3A_394 = vector.broadcast %max3A_393 : f32 to vector<824x128xf32>
    %max3A_395 = arith.maximumf %add3A_392, %max3A_394 : vector<824x128xf32>
    %dot_general3A_396 = arith.constant dense<0.000000e+00> : vector<824x1xf32>
    %dot_general3A_397 = tpu.matmul %max3A_395, %get3A_31, %dot_general3A_396 {dimension_numbers = #tpu.dot_dimension_numbers<[1], [0], [0], [1], [0, 0, 1, 1], [], []>, transpose_lhs_hint = false} : vector<824x128xf32>, vector<128x1xf32>, vector<824x1xf32> -> vector<824x1xf32>
    %add3A_398 = arith.addf %dot_general3A_397, %slice3A_387 : vector<824x1xf32>
    %add3A_399 = arith.addf %add3A_398, %add3A_25 : vector<824x1xf32>
    %lt3A_400 = arith.constant 804 : i32
    %lt3A_401 = vector.broadcast %lt3A_400 : i32 to vector<824x1xi32>
    %lt3A_402 = arith.cmpi slt, %iota3A, %lt3A_401 : vector<824x1xi32>
    %jit3A_403 = arith.constant -1.000000e+09 : f32
    %broadcast_in_dim3A_404 = vector.broadcast %jit3A_403 : f32 to vector<824x1xf32>
    %select_n3A_405 = arith.select %lt3A_402, %add3A_399, %broadcast_in_dim3A_404 : vector<824x1xi1>, vector<824x1xf32>
    %swap3A_406 = arith.constant 0 : index
    %swap3A_407 = arith.constant 14 : index
    %swap3A_408 = vector.load %arg9[%swap3A_406, %swap3A_407] : memref<824x51xf32, #tpu.memory_space<vmem>>, vector<824x1xf32>
    tpu.vector_store %arg9[%swap3A_406, %swap3A_407], %select_n3A_405 {strides = array<i32>} : memref<824x51xf32, #tpu.memory_space<vmem>>, vector<824x1xf32>,
    %slice3A_409 = vector.extract_strided_slice %slice3A_32 {offsets = [16, 0], sizes = [824, 384], strides = [1, 1]} : vector<872x384xf32> to vector<824x384xf32>
    %slice3A_410 = vector.extract_strided_slice %slice3A_40 {offsets = [16, 0], sizes = [824, 128], strides = [1, 1]} : vector<872x128xf32> to vector<824x128xf32>
    %slice3A_411 = vector.extract_strided_slice %slice3A_48 {offsets = [16, 0], sizes = [824, 1], strides = [1, 1]} : vector<872x1xf32> to vector<824x1xf32>
    %add3A_412 = arith.addf %add3A_17, %slice3A_410 : vector<824x128xf32>
    %mul3A_413 = arith.mulf %slice3A_18, %slice3A_409 : vector<824x384xf32>
    %dot_general3A_414 = arith.constant dense<0.000000e+00> : vector<824x128xf32>
    %dot_general3A_415 = tpu.matmul %mul3A_413, %get3A_28, %dot_general3A_414 {dimension_numbers = #tpu.dot_dimension_numbers<[1], [0], [0], [1], [0, 0, 1, 1], [], []>, transpose_lhs_hint = false} : vector<824x384xf32>, vector<384x128xf32>, vector<824x128xf32> -> vector<824x128xf32>
    %add3A_416 = arith.addf %add3A_412, %dot_general3A_415 : vector<824x128xf32>
    %max3A_417 = arith.constant 0.000000e+00 : f32
    %max3A_418 = vector.broadcast %max3A_417 : f32 to vector<824x128xf32>
    %max3A_419 = arith.maximumf %add3A_416, %max3A_418 : vector<824x128xf32>
    %dot_general3A_420 = arith.constant dense<0.000000e+00> : vector<824x1xf32>
    %dot_general3A_421 = tpu.matmul %max3A_419, %get3A_31, %dot_general3A_420 {dimension_numbers = #tpu.dot_dimension_numbers<[1], [0], [0], [1], [0, 0, 1, 1], [], []>, transpose_lhs_hint = false} : vector<824x128xf32>, vector<128x1xf32>, vector<824x1xf32> -> vector<824x1xf32>
    %add3A_422 = arith.addf %dot_general3A_421, %slice3A_411 : vector<824x1xf32>
    %add3A_423 = arith.addf %add3A_422, %add3A_25 : vector<824x1xf32>
    %lt3A_424 = arith.constant 803 : i32
    %lt3A_425 = vector.broadcast %lt3A_424 : i32 to vector<824x1xi32>
    %lt3A_426 = arith.cmpi slt, %iota3A, %lt3A_425 : vector<824x1xi32>
    %jit3A_427 = arith.constant -1.000000e+09 : f32
    %broadcast_in_dim3A_428 = vector.broadcast %jit3A_427 : f32 to vector<824x1xf32>
    %select_n3A_429 = arith.select %lt3A_426, %add3A_423, %broadcast_in_dim3A_428 : vector<824x1xi1>, vector<824x1xf32>
    %swap3A_430 = arith.constant 0 : index
    %swap3A_431 = arith.constant 15 : index
    %swap3A_432 = vector.load %arg9[%swap3A_430, %swap3A_431] : memref<824x51xf32, #tpu.memory_space<vmem>>, vector<824x1xf32>
    tpu.vector_store %arg9[%swap3A_430, %swap3A_431], %select_n3A_429 {strides = array<i32>} : memref<824x51xf32, #tpu.memory_space<vmem>>, vector<824x1xf32>,
    %slice3A_433 = vector.extract_strided_slice %slice3A_33 {offsets = [16, 0], sizes = [824, 384], strides = [1, 1]} : vector<872x384xf32> to vector<824x384xf32>
    %slice3A_434 = vector.extract_strided_slice %slice3A_41 {offsets = [16, 0], sizes = [824, 128], strides = [1, 1]} : vector<872x128xf32> to vector<824x128xf32>
    %slice3A_435 = vector.extract_strided_slice %slice3A_49 {offsets = [16, 0], sizes = [824, 1], strides = [1, 1]} : vector<872x1xf32> to vector<824x1xf32>
    %add3A_436 = arith.addf %add3A_17, %slice3A_434 : vector<824x128xf32>
    %mul3A_437 = arith.mulf %slice3A_18, %slice3A_433 : vector<824x384xf32>
    %dot_general3A_438 = arith.constant dense<0.000000e+00> : vector<824x128xf32>
    %dot_general3A_439 = tpu.matmul %mul3A_437, %get3A_28, %dot_general3A_438 {dimension_numbers = #tpu.dot_dimension_numbers<[1], [0], [0], [1], [0, 0, 1, 1], [], []>, transpose_lhs_hint = false} : vector<824x384xf32>, vector<384x128xf32>, vector<824x128xf32> -> vector<824x128xf32>
    %add3A_440 = arith.addf %add3A_436, %dot_general3A_439 : vector<824x128xf32>
    %max3A_441 = arith.constant 0.000000e+00 : f32
    %max3A_442 = vector.broadcast %max3A_441 : f32 to vector<824x128xf32>
    %max3A_443 = arith.maximumf %add3A_440, %max3A_442 : vector<824x128xf32>
    %dot_general3A_444 = arith.constant dense<0.000000e+00> : vector<824x1xf32>
    %dot_general3A_445 = tpu.matmul %max3A_443, %get3A_31, %dot_general3A_444 {dimension_numbers = #tpu.dot_dimension_numbers<[1], [0], [0], [1], [0, 0, 1, 1], [], []>, transpose_lhs_hint = false} : vector<824x128xf32>, vector<128x1xf32>, vector<824x1xf32> -> vector<824x1xf32>
    %add3A_446 = arith.addf %dot_general3A_445, %slice3A_435 : vector<824x1xf32>
    %add3A_447 = arith.addf %add3A_446, %add3A_25 : vector<824x1xf32>
    %lt3A_448 = arith.constant 802 : i32
    %lt3A_449 = vector.broadcast %lt3A_448 : i32 to vector<824x1xi32>
    %lt3A_450 = arith.cmpi slt, %iota3A, %lt3A_449 : vector<824x1xi32>
    %jit3A_451 = arith.constant -1.000000e+09 : f32
    %broadcast_in_dim3A_452 = vector.broadcast %jit3A_451 : f32 to vector<824x1xf32>
    %select_n3A_453 = arith.select %lt3A_450, %add3A_447, %broadcast_in_dim3A_452 : vector<824x1xi1>, vector<824x1xf32>
    %swap3A_454 = arith.constant 0 : index
    %swap3A_455 = arith.constant 16 : index
    %swap3A_456 = vector.load %arg9[%swap3A_454, %swap3A_455] : memref<824x51xf32, #tpu.memory_space<vmem>>, vector<824x1xf32>
    tpu.vector_store %arg9[%swap3A_454, %swap3A_455], %select_n3A_453 {strides = array<i32>} : memref<824x51xf32, #tpu.memory_space<vmem>>, vector<824x1xf32>,
    %slice3A_457 = vector.extract_strided_slice %slice3A_34 {offsets = [16, 0], sizes = [824, 384], strides = [1, 1]} : vector<872x384xf32> to vector<824x384xf32>
    %slice3A_458 = vector.extract_strided_slice %slice3A_42 {offsets = [16, 0], sizes = [824, 128], strides = [1, 1]} : vector<872x128xf32> to vector<824x128xf32>
    %slice3A_459 = vector.extract_strided_slice %slice3A_50 {offsets = [16, 0], sizes = [824, 1], strides = [1, 1]} : vector<872x1xf32> to vector<824x1xf32>
    %add3A_460 = arith.addf %add3A_17, %slice3A_458 : vector<824x128xf32>
    %mul3A_461 = arith.mulf %slice3A_18, %slice3A_457 : vector<824x384xf32>
    %dot_general3A_462 = arith.constant dense<0.000000e+00> : vector<824x128xf32>
    %dot_general3A_463 = tpu.matmul %mul3A_461, %get3A_28, %dot_general3A_462 {dimension_numbers = #tpu.dot_dimension_numbers<[1], [0], [0], [1], [0, 0, 1, 1], [], []>, transpose_lhs_hint = false} : vector<824x384xf32>, vector<384x128xf32>, vector<824x128xf32> -> vector<824x128xf32>
    %add3A_464 = arith.addf %add3A_460, %dot_general3A_463 : vector<824x128xf32>
    %max3A_465 = arith.constant 0.000000e+00 : f32
    %max3A_466 = vector.broadcast %max3A_465 : f32 to vector<824x128xf32>
    %max3A_467 = arith.maximumf %add3A_464, %max3A_466 : vector<824x128xf32>
    %dot_general3A_468 = arith.constant dense<0.000000e+00> : vector<824x1xf32>
    %dot_general3A_469 = tpu.matmul %max3A_467, %get3A_31, %dot_general3A_468 {dimension_numbers = #tpu.dot_dimension_numbers<[1], [0], [0], [1], [0, 0, 1, 1], [], []>, transpose_lhs_hint = false} : vector<824x128xf32>, vector<128x1xf32>, vector<824x1xf32> -> vector<824x1xf32>
    %add3A_470 = arith.addf %dot_general3A_469, %slice3A_459 : vector<824x1xf32>
    %add3A_471 = arith.addf %add3A_470, %add3A_25 : vector<824x1xf32>
    %lt3A_472 = arith.constant 801 : i32
    %lt3A_473 = vector.broadcast %lt3A_472 : i32 to vector<824x1xi32>
    %lt3A_474 = arith.cmpi slt, %iota3A, %lt3A_473 : vector<824x1xi32>
    %jit3A_475 = arith.constant -1.000000e+09 : f32
    %broadcast_in_dim3A_476 = vector.broadcast %jit3A_475 : f32 to vector<824x1xf32>
    %select_n3A_477 = arith.select %lt3A_474, %add3A_471, %broadcast_in_dim3A_476 : vector<824x1xi1>, vector<824x1xf32>
    %swap3A_478 = arith.constant 0 : index
    %swap3A_479 = arith.constant 17 : index
    %swap3A_480 = vector.load %arg9[%swap3A_478, %swap3A_479] : memref<824x51xf32, #tpu.memory_space<vmem>>, vector<824x1xf32>
    tpu.vector_store %arg9[%swap3A_478, %swap3A_479], %select_n3A_477 {strides = array<i32>} : memref<824x51xf32, #tpu.memory_space<vmem>>, vector<824x1xf32>,
    %slice3A_481 = vector.extract_strided_slice %slice3A_35 {offsets = [16, 0], sizes = [824, 384], strides = [1, 1]} : vector<872x384xf32> to vector<824x384xf32>
    %slice3A_482 = vector.extract_strided_slice %slice3A_43 {offsets = [16, 0], sizes = [824, 128], strides = [1, 1]} : vector<872x128xf32> to vector<824x128xf32>
    %slice3A_483 = vector.extract_strided_slice %slice3A_51 {offsets = [16, 0], sizes = [824, 1], strides = [1, 1]} : vector<872x1xf32> to vector<824x1xf32>
    %add3A_484 = arith.addf %add3A_17, %slice3A_482 : vector<824x128xf32>
    %mul3A_485 = arith.mulf %slice3A_18, %slice3A_481 : vector<824x384xf32>
    %dot_general3A_486 = arith.constant dense<0.000000e+00> : vector<824x128xf32>
    %dot_general3A_487 = tpu.matmul %mul3A_485, %get3A_28, %dot_general3A_486 {dimension_numbers = #tpu.dot_dimension_numbers<[1], [0], [0], [1], [0, 0, 1, 1], [], []>, transpose_lhs_hint = false} : vector<824x384xf32>, vector<384x128xf32>, vector<824x128xf32> -> vector<824x128xf32>
    %add3A_488 = arith.addf %add3A_484, %dot_general3A_487 : vector<824x128xf32>
    %max3A_489 = arith.constant 0.000000e+00 : f32
    %max3A_490 = vector.broadcast %max3A_489 : f32 to vector<824x128xf32>
    %max3A_491 = arith.maximumf %add3A_488, %max3A_490 : vector<824x128xf32>
    %dot_general3A_492 = arith.constant dense<0.000000e+00> : vector<824x1xf32>
    %dot_general3A_493 = tpu.matmul %max3A_491, %get3A_31, %dot_general3A_492 {dimension_numbers = #tpu.dot_dimension_numbers<[1], [0], [0], [1], [0, 0, 1, 1], [], []>, transpose_lhs_hint = false} : vector<824x128xf32>, vector<128x1xf32>, vector<824x1xf32> -> vector<824x1xf32>
    %add3A_494 = arith.addf %dot_general3A_493, %slice3A_483 : vector<824x1xf32>
    %add3A_495 = arith.addf %add3A_494, %add3A_25 : vector<824x1xf32>
    %lt3A_496 = arith.constant 800 : i32
    %lt3A_497 = vector.broadcast %lt3A_496 : i32 to vector<824x1xi32>
    %lt3A_498 = arith.cmpi slt, %iota3A, %lt3A_497 : vector<824x1xi32>
    %jit3A_499 = arith.constant -1.000000e+09 : f32
    %broadcast_in_dim3A_500 = vector.broadcast %jit3A_499 : f32 to vector<824x1xf32>
    %select_n3A_501 = arith.select %lt3A_498, %add3A_495, %broadcast_in_dim3A_500 : vector<824x1xi1>, vector<824x1xf32>
    %swap3A_502 = arith.constant 0 : index
    %swap3A_503 = arith.constant 18 : index
    %swap3A_504 = vector.load %arg9[%swap3A_502, %swap3A_503] : memref<824x51xf32, #tpu.memory_space<vmem>>, vector<824x1xf32>
    tpu.vector_store %arg9[%swap3A_502, %swap3A_503], %select_n3A_501 {strides = array<i32>} : memref<824x51xf32, #tpu.memory_space<vmem>>, vector<824x1xf32>,
    %slice3A_505 = vector.extract_strided_slice %slice3A_36 {offsets = [16, 0], sizes = [824, 384], strides = [1, 1]} : vector<872x384xf32> to vector<824x384xf32>
    %slice3A_506 = vector.extract_strided_slice %slice3A_44 {offsets = [16, 0], sizes = [824, 128], strides = [1, 1]} : vector<872x128xf32> to vector<824x128xf32>
    %slice3A_507 = vector.extract_strided_slice %slice3A_52 {offsets = [16, 0], sizes = [824, 1], strides = [1, 1]} : vector<872x1xf32> to vector<824x1xf32>
    %add3A_508 = arith.addf %add3A_17, %slice3A_506 : vector<824x128xf32>
    %mul3A_509 = arith.mulf %slice3A_18, %slice3A_505 : vector<824x384xf32>
    %dot_general3A_510 = arith.constant dense<0.000000e+00> : vector<824x128xf32>
    %dot_general3A_511 = tpu.matmul %mul3A_509, %get3A_28, %dot_general3A_510 {dimension_numbers = #tpu.dot_dimension_numbers<[1], [0], [0], [1], [0, 0, 1, 1], [], []>, transpose_lhs_hint = false} : vector<824x384xf32>, vector<384x128xf32>, vector<824x128xf32> -> vector<824x128xf32>
    %add3A_512 = arith.addf %add3A_508, %dot_general3A_511 : vector<824x128xf32>
    %max3A_513 = arith.constant 0.000000e+00 : f32
    %max3A_514 = vector.broadcast %max3A_513 : f32 to vector<824x128xf32>
    %max3A_515 = arith.maximumf %add3A_512, %max3A_514 : vector<824x128xf32>
    %dot_general3A_516 = arith.constant dense<0.000000e+00> : vector<824x1xf32>
    %dot_general3A_517 = tpu.matmul %max3A_515, %get3A_31, %dot_general3A_516 {dimension_numbers = #tpu.dot_dimension_numbers<[1], [0], [0], [1], [0, 0, 1, 1], [], []>, transpose_lhs_hint = false} : vector<824x128xf32>, vector<128x1xf32>, vector<824x1xf32> -> vector<824x1xf32>
    %add3A_518 = arith.addf %dot_general3A_517, %slice3A_507 : vector<824x1xf32>
    %add3A_519 = arith.addf %add3A_518, %add3A_25 : vector<824x1xf32>
    %lt3A_520 = arith.constant 799 : i32
    %lt3A_521 = vector.broadcast %lt3A_520 : i32 to vector<824x1xi32>
    %lt3A_522 = arith.cmpi slt, %iota3A, %lt3A_521 : vector<824x1xi32>
    %jit3A_523 = arith.constant -1.000000e+09 : f32
    %broadcast_in_dim3A_524 = vector.broadcast %jit3A_523 : f32 to vector<824x1xf32>
    %select_n3A_525 = arith.select %lt3A_522, %add3A_519, %broadcast_in_dim3A_524 : vector<824x1xi1>, vector<824x1xf32>
    %swap3A_526 = arith.constant 0 : index
    %swap3A_527 = arith.constant 19 : index
    %swap3A_528 = vector.load %arg9[%swap3A_526, %swap3A_527] : memref<824x51xf32, #tpu.memory_space<vmem>>, vector<824x1xf32>
    tpu.vector_store %arg9[%swap3A_526, %swap3A_527], %select_n3A_525 {strides = array<i32>} : memref<824x51xf32, #tpu.memory_space<vmem>>, vector<824x1xf32>,
    %slice3A_529 = vector.extract_strided_slice %slice3A_37 {offsets = [16, 0], sizes = [824, 384], strides = [1, 1]} : vector<872x384xf32> to vector<824x384xf32>
    %slice3A_530 = vector.extract_strided_slice %slice3A_45 {offsets = [16, 0], sizes = [824, 128], strides = [1, 1]} : vector<872x128xf32> to vector<824x128xf32>
    %slice3A_531 = vector.extract_strided_slice %slice3A_53 {offsets = [16, 0], sizes = [824, 1], strides = [1, 1]} : vector<872x1xf32> to vector<824x1xf32>
    %add3A_532 = arith.addf %add3A_17, %slice3A_530 : vector<824x128xf32>
    %mul3A_533 = arith.mulf %slice3A_18, %slice3A_529 : vector<824x384xf32>
    %dot_general3A_534 = arith.constant dense<0.000000e+00> : vector<824x128xf32>
    %dot_general3A_535 = tpu.matmul %mul3A_533, %get3A_28, %dot_general3A_534 {dimension_numbers = #tpu.dot_dimension_numbers<[1], [0], [0], [1], [0, 0, 1, 1], [], []>, transpose_lhs_hint = false} : vector<824x384xf32>, vector<384x128xf32>, vector<824x128xf32> -> vector<824x128xf32>
    %add3A_536 = arith.addf %add3A_532, %dot_general3A_535 : vector<824x128xf32>
    %max3A_537 = arith.constant 0.000000e+00 : f32
    %max3A_538 = vector.broadcast %max3A_537 : f32 to vector<824x128xf32>
    %max3A_539 = arith.maximumf %add3A_536, %max3A_538 : vector<824x128xf32>
    %dot_general3A_540 = arith.constant dense<0.000000e+00> : vector<824x1xf32>
    %dot_general3A_541 = tpu.matmul %max3A_539, %get3A_31, %dot_general3A_540 {dimension_numbers = #tpu.dot_dimension_numbers<[1], [0], [0], [1], [0, 0, 1, 1], [], []>, transpose_lhs_hint = false} : vector<824x128xf32>, vector<128x1xf32>, vector<824x1xf32> -> vector<824x1xf32>
    %add3A_542 = arith.addf %dot_general3A_541, %slice3A_531 : vector<824x1xf32>
    %add3A_543 = arith.addf %add3A_542, %add3A_25 : vector<824x1xf32>
    %lt3A_544 = arith.constant 798 : i32
    %lt3A_545 = vector.broadcast %lt3A_544 : i32 to vector<824x1xi32>
    %lt3A_546 = arith.cmpi slt, %iota3A, %lt3A_545 : vector<824x1xi32>
    %jit3A_547 = arith.constant -1.000000e+09 : f32
    %broadcast_in_dim3A_548 = vector.broadcast %jit3A_547 : f32 to vector<824x1xf32>
    %select_n3A_549 = arith.select %lt3A_546, %add3A_543, %broadcast_in_dim3A_548 : vector<824x1xi1>, vector<824x1xf32>
    %swap3A_550 = arith.constant 0 : index
    %swap3A_551 = arith.constant 20 : index
    %swap3A_552 = vector.load %arg9[%swap3A_550, %swap3A_551] : memref<824x51xf32, #tpu.memory_space<vmem>>, vector<824x1xf32>
    tpu.vector_store %arg9[%swap3A_550, %swap3A_551], %select_n3A_549 {strides = array<i32>} : memref<824x51xf32, #tpu.memory_space<vmem>>, vector<824x1xf32>,
    %slice3A_553 = vector.extract_strided_slice %slice3A_38 {offsets = [16, 0], sizes = [824, 384], strides = [1, 1]} : vector<872x384xf32> to vector<824x384xf32>
    %slice3A_554 = vector.extract_strided_slice %slice3A_46 {offsets = [16, 0], sizes = [824, 128], strides = [1, 1]} : vector<872x128xf32> to vector<824x128xf32>
    %slice3A_555 = vector.extract_strided_slice %slice3A_54 {offsets = [16, 0], sizes = [824, 1], strides = [1, 1]} : vector<872x1xf32> to vector<824x1xf32>
    %add3A_556 = arith.addf %add3A_17, %slice3A_554 : vector<824x128xf32>
    %mul3A_557 = arith.mulf %slice3A_18, %slice3A_553 : vector<824x384xf32>
    %dot_general3A_558 = arith.constant dense<0.000000e+00> : vector<824x128xf32>
    %dot_general3A_559 = tpu.matmul %mul3A_557, %get3A_28, %dot_general3A_558 {dimension_numbers = #tpu.dot_dimension_numbers<[1], [0], [0], [1], [0, 0, 1, 1], [], []>, transpose_lhs_hint = false} : vector<824x384xf32>, vector<384x128xf32>, vector<824x128xf32> -> vector<824x128xf32>
    %add3A_560 = arith.addf %add3A_556, %dot_general3A_559 : vector<824x128xf32>
    %max3A_561 = arith.constant 0.000000e+00 : f32
    %max3A_562 = vector.broadcast %max3A_561 : f32 to vector<824x128xf32>
    %max3A_563 = arith.maximumf %add3A_560, %max3A_562 : vector<824x128xf32>
    %dot_general3A_564 = arith.constant dense<0.000000e+00> : vector<824x1xf32>
    %dot_general3A_565 = tpu.matmul %max3A_563, %get3A_31, %dot_general3A_564 {dimension_numbers = #tpu.dot_dimension_numbers<[1], [0], [0], [1], [0, 0, 1, 1], [], []>, transpose_lhs_hint = false} : vector<824x128xf32>, vector<128x1xf32>, vector<824x1xf32> -> vector<824x1xf32>
    %add3A_566 = arith.addf %dot_general3A_565, %slice3A_555 : vector<824x1xf32>
    %add3A_567 = arith.addf %add3A_566, %add3A_25 : vector<824x1xf32>
    %lt3A_568 = arith.constant 797 : i32
    %lt3A_569 = vector.broadcast %lt3A_568 : i32 to vector<824x1xi32>
    %lt3A_570 = arith.cmpi slt, %iota3A, %lt3A_569 : vector<824x1xi32>
    %jit3A_571 = arith.constant -1.000000e+09 : f32
    %broadcast_in_dim3A_572 = vector.broadcast %jit3A_571 : f32 to vector<824x1xf32>
    %select_n3A_573 = arith.select %lt3A_570, %add3A_567, %broadcast_in_dim3A_572 : vector<824x1xi1>, vector<824x1xf32>
    %swap3A_574 = arith.constant 0 : index
    %swap3A_575 = arith.constant 21 : index
    %swap3A_576 = vector.load %arg9[%swap3A_574, %swap3A_575] : memref<824x51xf32, #tpu.memory_space<vmem>>, vector<824x1xf32>
    tpu.vector_store %arg9[%swap3A_574, %swap3A_575], %select_n3A_573 {strides = array<i32>} : memref<824x51xf32, #tpu.memory_space<vmem>>, vector<824x1xf32>,
    %slice3A_577 = vector.extract_strided_slice %slice3A_39 {offsets = [16, 0], sizes = [824, 384], strides = [1, 1]} : vector<872x384xf32> to vector<824x384xf32>
    %slice3A_578 = vector.extract_strided_slice %slice3A_47 {offsets = [16, 0], sizes = [824, 128], strides = [1, 1]} : vector<872x128xf32> to vector<824x128xf32>
    %slice3A_579 = vector.extract_strided_slice %slice3A_55 {offsets = [16, 0], sizes = [824, 1], strides = [1, 1]} : vector<872x1xf32> to vector<824x1xf32>
    %add3A_580 = arith.addf %add3A_17, %slice3A_578 : vector<824x128xf32>
    %mul3A_581 = arith.mulf %slice3A_18, %slice3A_577 : vector<824x384xf32>
    %dot_general3A_582 = arith.constant dense<0.000000e+00> : vector<824x128xf32>
    %dot_general3A_583 = tpu.matmul %mul3A_581, %get3A_28, %dot_general3A_582 {dimension_numbers = #tpu.dot_dimension_numbers<[1], [0], [0], [1], [0, 0, 1, 1], [], []>, transpose_lhs_hint = false} : vector<824x384xf32>, vector<384x128xf32>, vector<824x128xf32> -> vector<824x128xf32>
    %add3A_584 = arith.addf %add3A_580, %dot_general3A_583 : vector<824x128xf32>
    %max3A_585 = arith.constant 0.000000e+00 : f32
    %max3A_586 = vector.broadcast %max3A_585 : f32 to vector<824x128xf32>
    %max3A_587 = arith.maximumf %add3A_584, %max3A_586 : vector<824x128xf32>
    %dot_general3A_588 = arith.constant dense<0.000000e+00> : vector<824x1xf32>
    %dot_general3A_589 = tpu.matmul %max3A_587, %get3A_31, %dot_general3A_588 {dimension_numbers = #tpu.dot_dimension_numbers<[1], [0], [0], [1], [0, 0, 1, 1], [], []>, transpose_lhs_hint = false} : vector<824x128xf32>, vector<128x1xf32>, vector<824x1xf32> -> vector<824x1xf32>
    %add3A_590 = arith.addf %dot_general3A_589, %slice3A_579 : vector<824x1xf32>
    %add3A_591 = arith.addf %add3A_590, %add3A_25 : vector<824x1xf32>
    %lt3A_592 = arith.constant 796 : i32
    %lt3A_593 = vector.broadcast %lt3A_592 : i32 to vector<824x1xi32>
    %lt3A_594 = arith.cmpi slt, %iota3A, %lt3A_593 : vector<824x1xi32>
    %jit3A_595 = arith.constant -1.000000e+09 : f32
    %broadcast_in_dim3A_596 = vector.broadcast %jit3A_595 : f32 to vector<824x1xf32>
    %select_n3A_597 = arith.select %lt3A_594, %add3A_591, %broadcast_in_dim3A_596 : vector<824x1xi1>, vector<824x1xf32>
    %swap3A_598 = arith.constant 0 : index
    %swap3A_599 = arith.constant 22 : index
    %swap3A_600 = vector.load %arg9[%swap3A_598, %swap3A_599] : memref<824x51xf32, #tpu.memory_space<vmem>>, vector<824x1xf32>
    tpu.vector_store %arg9[%swap3A_598, %swap3A_599], %select_n3A_597 {strides = array<i32>} : memref<824x51xf32, #tpu.memory_space<vmem>>, vector<824x1xf32>,
    %slice3A_601 = vector.extract_strided_slice %slice3A_32 {offsets = [24, 0], sizes = [824, 384], strides = [1, 1]} : vector<872x384xf32> to vector<824x384xf32>
    %slice3A_602 = vector.extract_strided_slice %slice3A_40 {offsets = [24, 0], sizes = [824, 128], strides = [1, 1]} : vector<872x128xf32> to vector<824x128xf32>
    %slice3A_603 = vector.extract_strided_slice %slice3A_48 {offsets = [24, 0], sizes = [824, 1], strides = [1, 1]} : vector<872x1xf32> to vector<824x1xf32>
    %add3A_604 = arith.addf %add3A_17, %slice3A_602 : vector<824x128xf32>
    %mul3A_605 = arith.mulf %slice3A_18, %slice3A_601 : vector<824x384xf32>
    %dot_general3A_606 = arith.constant dense<0.000000e+00> : vector<824x128xf32>
    %dot_general3A_607 = tpu.matmul %mul3A_605, %get3A_28, %dot_general3A_606 {dimension_numbers = #tpu.dot_dimension_numbers<[1], [0], [0], [1], [0, 0, 1, 1], [], []>, transpose_lhs_hint = false} : vector<824x384xf32>, vector<384x128xf32>, vector<824x128xf32> -> vector<824x128xf32>
    %add3A_608 = arith.addf %add3A_604, %dot_general3A_607 : vector<824x128xf32>
    %max3A_609 = arith.constant 0.000000e+00 : f32
    %max3A_610 = vector.broadcast %max3A_609 : f32 to vector<824x128xf32>
    %max3A_611 = arith.maximumf %add3A_608, %max3A_610 : vector<824x128xf32>
    %dot_general3A_612 = arith.constant dense<0.000000e+00> : vector<824x1xf32>
    %dot_general3A_613 = tpu.matmul %max3A_611, %get3A_31, %dot_general3A_612 {dimension_numbers = #tpu.dot_dimension_numbers<[1], [0], [0], [1], [0, 0, 1, 1], [], []>, transpose_lhs_hint = false} : vector<824x128xf32>, vector<128x1xf32>, vector<824x1xf32> -> vector<824x1xf32>
    %add3A_614 = arith.addf %dot_general3A_613, %slice3A_603 : vector<824x1xf32>
    %add3A_615 = arith.addf %add3A_614, %add3A_25 : vector<824x1xf32>
    %lt3A_616 = arith.constant 795 : i32
    %lt3A_617 = vector.broadcast %lt3A_616 : i32 to vector<824x1xi32>
    %lt3A_618 = arith.cmpi slt, %iota3A, %lt3A_617 : vector<824x1xi32>
    %jit3A_619 = arith.constant -1.000000e+09 : f32
    %broadcast_in_dim3A_620 = vector.broadcast %jit3A_619 : f32 to vector<824x1xf32>
    %select_n3A_621 = arith.select %lt3A_618, %add3A_615, %broadcast_in_dim3A_620 : vector<824x1xi1>, vector<824x1xf32>
    %swap3A_622 = arith.constant 0 : index
    %swap3A_623 = arith.constant 23 : index
    %swap3A_624 = vector.load %arg9[%swap3A_622, %swap3A_623] : memref<824x51xf32, #tpu.memory_space<vmem>>, vector<824x1xf32>
    tpu.vector_store %arg9[%swap3A_622, %swap3A_623], %select_n3A_621 {strides = array<i32>} : memref<824x51xf32, #tpu.memory_space<vmem>>, vector<824x1xf32>,
    %slice3A_625 = vector.extract_strided_slice %slice3A_33 {offsets = [24, 0], sizes = [824, 384], strides = [1, 1]} : vector<872x384xf32> to vector<824x384xf32>
    %slice3A_626 = vector.extract_strided_slice %slice3A_41 {offsets = [24, 0], sizes = [824, 128], strides = [1, 1]} : vector<872x128xf32> to vector<824x128xf32>
    %slice3A_627 = vector.extract_strided_slice %slice3A_49 {offsets = [24, 0], sizes = [824, 1], strides = [1, 1]} : vector<872x1xf32> to vector<824x1xf32>
    %add3A_628 = arith.addf %add3A_17, %slice3A_626 : vector<824x128xf32>
    %mul3A_629 = arith.mulf %slice3A_18, %slice3A_625 : vector<824x384xf32>
    %dot_general3A_630 = arith.constant dense<0.000000e+00> : vector<824x128xf32>
    %dot_general3A_631 = tpu.matmul %mul3A_629, %get3A_28, %dot_general3A_630 {dimension_numbers = #tpu.dot_dimension_numbers<[1], [0], [0], [1], [0, 0, 1, 1], [], []>, transpose_lhs_hint = false} : vector<824x384xf32>, vector<384x128xf32>, vector<824x128xf32> -> vector<824x128xf32>
    %add3A_632 = arith.addf %add3A_628, %dot_general3A_631 : vector<824x128xf32>
    %max3A_633 = arith.constant 0.000000e+00 : f32
    %max3A_634 = vector.broadcast %max3A_633 : f32 to vector<824x128xf32>
    %max3A_635 = arith.maximumf %add3A_632, %max3A_634 : vector<824x128xf32>
    %dot_general3A_636 = arith.constant dense<0.000000e+00> : vector<824x1xf32>
    %dot_general3A_637 = tpu.matmul %max3A_635, %get3A_31, %dot_general3A_636 {dimension_numbers = #tpu.dot_dimension_numbers<[1], [0], [0], [1], [0, 0, 1, 1], [], []>, transpose_lhs_hint = false} : vector<824x128xf32>, vector<128x1xf32>, vector<824x1xf32> -> vector<824x1xf32>
    %add3A_638 = arith.addf %dot_general3A_637, %slice3A_627 : vector<824x1xf32>
    %add3A_639 = arith.addf %add3A_638, %add3A_25 : vector<824x1xf32>
    %lt3A_640 = arith.constant 794 : i32
    %lt3A_641 = vector.broadcast %lt3A_640 : i32 to vector<824x1xi32>
    %lt3A_642 = arith.cmpi slt, %iota3A, %lt3A_641 : vector<824x1xi32>
    %jit3A_643 = arith.constant -1.000000e+09 : f32
    %broadcast_in_dim3A_644 = vector.broadcast %jit3A_643 : f32 to vector<824x1xf32>
    %select_n3A_645 = arith.select %lt3A_642, %add3A_639, %broadcast_in_dim3A_644 : vector<824x1xi1>, vector<824x1xf32>
    %swap3A_646 = arith.constant 0 : index
    %swap3A_647 = arith.constant 24 : index
    %swap3A_648 = vector.load %arg9[%swap3A_646, %swap3A_647] : memref<824x51xf32, #tpu.memory_space<vmem>>, vector<824x1xf32>
    tpu.vector_store %arg9[%swap3A_646, %swap3A_647], %select_n3A_645 {strides = array<i32>} : memref<824x51xf32, #tpu.memory_space<vmem>>, vector<824x1xf32>,
    %slice3A_649 = vector.extract_strided_slice %slice3A_34 {offsets = [24, 0], sizes = [824, 384], strides = [1, 1]} : vector<872x384xf32> to vector<824x384xf32>
    %slice3A_650 = vector.extract_strided_slice %slice3A_42 {offsets = [24, 0], sizes = [824, 128], strides = [1, 1]} : vector<872x128xf32> to vector<824x128xf32>
    %slice3A_651 = vector.extract_strided_slice %slice3A_50 {offsets = [24, 0], sizes = [824, 1], strides = [1, 1]} : vector<872x1xf32> to vector<824x1xf32>
    %add3A_652 = arith.addf %add3A_17, %slice3A_650 : vector<824x128xf32>
    %mul3A_653 = arith.mulf %slice3A_18, %slice3A_649 : vector<824x384xf32>
    %dot_general3A_654 = arith.constant dense<0.000000e+00> : vector<824x128xf32>
    %dot_general3A_655 = tpu.matmul %mul3A_653, %get3A_28, %dot_general3A_654 {dimension_numbers = #tpu.dot_dimension_numbers<[1], [0], [0], [1], [0, 0, 1, 1], [], []>, transpose_lhs_hint = false} : vector<824x384xf32>, vector<384x128xf32>, vector<824x128xf32> -> vector<824x128xf32>
    %add3A_656 = arith.addf %add3A_652, %dot_general3A_655 : vector<824x128xf32>
    %max3A_657 = arith.constant 0.000000e+00 : f32
    %max3A_658 = vector.broadcast %max3A_657 : f32 to vector<824x128xf32>
    %max3A_659 = arith.maximumf %add3A_656, %max3A_658 : vector<824x128xf32>
    %dot_general3A_660 = arith.constant dense<0.000000e+00> : vector<824x1xf32>
    %dot_general3A_661 = tpu.matmul %max3A_659, %get3A_31, %dot_general3A_660 {dimension_numbers = #tpu.dot_dimension_numbers<[1], [0], [0], [1], [0, 0, 1, 1], [], []>, transpose_lhs_hint = false} : vector<824x128xf32>, vector<128x1xf32>, vector<824x1xf32> -> vector<824x1xf32>
    %add3A_662 = arith.addf %dot_general3A_661, %slice3A_651 : vector<824x1xf32>
    %add3A_663 = arith.addf %add3A_662, %add3A_25 : vector<824x1xf32>
    %lt3A_664 = arith.constant 793 : i32
    %lt3A_665 = vector.broadcast %lt3A_664 : i32 to vector<824x1xi32>
    %lt3A_666 = arith.cmpi slt, %iota3A, %lt3A_665 : vector<824x1xi32>
    %jit3A_667 = arith.constant -1.000000e+09 : f32
    %broadcast_in_dim3A_668 = vector.broadcast %jit3A_667 : f32 to vector<824x1xf32>
    %select_n3A_669 = arith.select %lt3A_666, %add3A_663, %broadcast_in_dim3A_668 : vector<824x1xi1>, vector<824x1xf32>
    %swap3A_670 = arith.constant 0 : index
    %swap3A_671 = arith.constant 25 : index
    %swap3A_672 = vector.load %arg9[%swap3A_670, %swap3A_671] : memref<824x51xf32, #tpu.memory_space<vmem>>, vector<824x1xf32>
    tpu.vector_store %arg9[%swap3A_670, %swap3A_671], %select_n3A_669 {strides = array<i32>} : memref<824x51xf32, #tpu.memory_space<vmem>>, vector<824x1xf32>,
    %slice3A_673 = vector.extract_strided_slice %slice3A_35 {offsets = [24, 0], sizes = [824, 384], strides = [1, 1]} : vector<872x384xf32> to vector<824x384xf32>
    %slice3A_674 = vector.extract_strided_slice %slice3A_43 {offsets = [24, 0], sizes = [824, 128], strides = [1, 1]} : vector<872x128xf32> to vector<824x128xf32>
    %slice3A_675 = vector.extract_strided_slice %slice3A_51 {offsets = [24, 0], sizes = [824, 1], strides = [1, 1]} : vector<872x1xf32> to vector<824x1xf32>
    %add3A_676 = arith.addf %add3A_17, %slice3A_674 : vector<824x128xf32>
    %mul3A_677 = arith.mulf %slice3A_18, %slice3A_673 : vector<824x384xf32>
    %dot_general3A_678 = arith.constant dense<0.000000e+00> : vector<824x128xf32>
    %dot_general3A_679 = tpu.matmul %mul3A_677, %get3A_28, %dot_general3A_678 {dimension_numbers = #tpu.dot_dimension_numbers<[1], [0], [0], [1], [0, 0, 1, 1], [], []>, transpose_lhs_hint = false} : vector<824x384xf32>, vector<384x128xf32>, vector<824x128xf32> -> vector<824x128xf32>
    %add3A_680 = arith.addf %add3A_676, %dot_general3A_679 : vector<824x128xf32>
    %max3A_681 = arith.constant 0.000000e+00 : f32
    %max3A_682 = vector.broadcast %max3A_681 : f32 to vector<824x128xf32>
    %max3A_683 = arith.maximumf %add3A_680, %max3A_682 : vector<824x128xf32>
    %dot_general3A_684 = arith.constant dense<0.000000e+00> : vector<824x1xf32>
    %dot_general3A_685 = tpu.matmul %max3A_683, %get3A_31, %dot_general3A_684 {dimension_numbers = #tpu.dot_dimension_numbers<[1], [0], [0], [1], [0, 0, 1, 1], [], []>, transpose_lhs_hint = false} : vector<824x128xf32>, vector<128x1xf32>, vector<824x1xf32> -> vector<824x1xf32>
    %add3A_686 = arith.addf %dot_general3A_685, %slice3A_675 : vector<824x1xf32>
    %add3A_687 = arith.addf %add3A_686, %add3A_25 : vector<824x1xf32>
    %lt3A_688 = arith.constant 792 : i32
    %lt3A_689 = vector.broadcast %lt3A_688 : i32 to vector<824x1xi32>
    %lt3A_690 = arith.cmpi slt, %iota3A, %lt3A_689 : vector<824x1xi32>
    %jit3A_691 = arith.constant -1.000000e+09 : f32
    %broadcast_in_dim3A_692 = vector.broadcast %jit3A_691 : f32 to vector<824x1xf32>
    %select_n3A_693 = arith.select %lt3A_690, %add3A_687, %broadcast_in_dim3A_692 : vector<824x1xi1>, vector<824x1xf32>
    %swap3A_694 = arith.constant 0 : index
    %swap3A_695 = arith.constant 26 : index
    %swap3A_696 = vector.load %arg9[%swap3A_694, %swap3A_695] : memref<824x51xf32, #tpu.memory_space<vmem>>, vector<824x1xf32>
    tpu.vector_store %arg9[%swap3A_694, %swap3A_695], %select_n3A_693 {strides = array<i32>} : memref<824x51xf32, #tpu.memory_space<vmem>>, vector<824x1xf32>,
    %slice3A_697 = vector.extract_strided_slice %slice3A_36 {offsets = [24, 0], sizes = [824, 384], strides = [1, 1]} : vector<872x384xf32> to vector<824x384xf32>
    %slice3A_698 = vector.extract_strided_slice %slice3A_44 {offsets = [24, 0], sizes = [824, 128], strides = [1, 1]} : vector<872x128xf32> to vector<824x128xf32>
    %slice3A_699 = vector.extract_strided_slice %slice3A_52 {offsets = [24, 0], sizes = [824, 1], strides = [1, 1]} : vector<872x1xf32> to vector<824x1xf32>
    %add3A_700 = arith.addf %add3A_17, %slice3A_698 : vector<824x128xf32>
    %mul3A_701 = arith.mulf %slice3A_18, %slice3A_697 : vector<824x384xf32>
    %dot_general3A_702 = arith.constant dense<0.000000e+00> : vector<824x128xf32>
    %dot_general3A_703 = tpu.matmul %mul3A_701, %get3A_28, %dot_general3A_702 {dimension_numbers = #tpu.dot_dimension_numbers<[1], [0], [0], [1], [0, 0, 1, 1], [], []>, transpose_lhs_hint = false} : vector<824x384xf32>, vector<384x128xf32>, vector<824x128xf32> -> vector<824x128xf32>
    %add3A_704 = arith.addf %add3A_700, %dot_general3A_703 : vector<824x128xf32>
    %max3A_705 = arith.constant 0.000000e+00 : f32
    %max3A_706 = vector.broadcast %max3A_705 : f32 to vector<824x128xf32>
    %max3A_707 = arith.maximumf %add3A_704, %max3A_706 : vector<824x128xf32>
    %dot_general3A_708 = arith.constant dense<0.000000e+00> : vector<824x1xf32>
    %dot_general3A_709 = tpu.matmul %max3A_707, %get3A_31, %dot_general3A_708 {dimension_numbers = #tpu.dot_dimension_numbers<[1], [0], [0], [1], [0, 0, 1, 1], [], []>, transpose_lhs_hint = false} : vector<824x128xf32>, vector<128x1xf32>, vector<824x1xf32> -> vector<824x1xf32>
    %add3A_710 = arith.addf %dot_general3A_709, %slice3A_699 : vector<824x1xf32>
    %add3A_711 = arith.addf %add3A_710, %add3A_25 : vector<824x1xf32>
    %lt3A_712 = arith.constant 791 : i32
    %lt3A_713 = vector.broadcast %lt3A_712 : i32 to vector<824x1xi32>
    %lt3A_714 = arith.cmpi slt, %iota3A, %lt3A_713 : vector<824x1xi32>
    %jit3A_715 = arith.constant -1.000000e+09 : f32
    %broadcast_in_dim3A_716 = vector.broadcast %jit3A_715 : f32 to vector<824x1xf32>
    %select_n3A_717 = arith.select %lt3A_714, %add3A_711, %broadcast_in_dim3A_716 : vector<824x1xi1>, vector<824x1xf32>
    %swap3A_718 = arith.constant 0 : index
    %swap3A_719 = arith.constant 27 : index
    %swap3A_720 = vector.load %arg9[%swap3A_718, %swap3A_719] : memref<824x51xf32, #tpu.memory_space<vmem>>, vector<824x1xf32>
    tpu.vector_store %arg9[%swap3A_718, %swap3A_719], %select_n3A_717 {strides = array<i32>} : memref<824x51xf32, #tpu.memory_space<vmem>>, vector<824x1xf32>,
    %slice3A_721 = vector.extract_strided_slice %slice3A_37 {offsets = [24, 0], sizes = [824, 384], strides = [1, 1]} : vector<872x384xf32> to vector<824x384xf32>
    %slice3A_722 = vector.extract_strided_slice %slice3A_45 {offsets = [24, 0], sizes = [824, 128], strides = [1, 1]} : vector<872x128xf32> to vector<824x128xf32>
    %slice3A_723 = vector.extract_strided_slice %slice3A_53 {offsets = [24, 0], sizes = [824, 1], strides = [1, 1]} : vector<872x1xf32> to vector<824x1xf32>
    %add3A_724 = arith.addf %add3A_17, %slice3A_722 : vector<824x128xf32>
    %mul3A_725 = arith.mulf %slice3A_18, %slice3A_721 : vector<824x384xf32>
    %dot_general3A_726 = arith.constant dense<0.000000e+00> : vector<824x128xf32>
    %dot_general3A_727 = tpu.matmul %mul3A_725, %get3A_28, %dot_general3A_726 {dimension_numbers = #tpu.dot_dimension_numbers<[1], [0], [0], [1], [0, 0, 1, 1], [], []>, transpose_lhs_hint = false} : vector<824x384xf32>, vector<384x128xf32>, vector<824x128xf32> -> vector<824x128xf32>
    %add3A_728 = arith.addf %add3A_724, %dot_general3A_727 : vector<824x128xf32>
    %max3A_729 = arith.constant 0.000000e+00 : f32
    %max3A_730 = vector.broadcast %max3A_729 : f32 to vector<824x128xf32>
    %max3A_731 = arith.maximumf %add3A_728, %max3A_730 : vector<824x128xf32>
    %dot_general3A_732 = arith.constant dense<0.000000e+00> : vector<824x1xf32>
    %dot_general3A_733 = tpu.matmul %max3A_731, %get3A_31, %dot_general3A_732 {dimension_numbers = #tpu.dot_dimension_numbers<[1], [0], [0], [1], [0, 0, 1, 1], [], []>, transpose_lhs_hint = false} : vector<824x128xf32>, vector<128x1xf32>, vector<824x1xf32> -> vector<824x1xf32>
    %add3A_734 = arith.addf %dot_general3A_733, %slice3A_723 : vector<824x1xf32>
    %add3A_735 = arith.addf %add3A_734, %add3A_25 : vector<824x1xf32>
    %lt3A_736 = arith.constant 790 : i32
    %lt3A_737 = vector.broadcast %lt3A_736 : i32 to vector<824x1xi32>
    %lt3A_738 = arith.cmpi slt, %iota3A, %lt3A_737 : vector<824x1xi32>
    %jit3A_739 = arith.constant -1.000000e+09 : f32
    %broadcast_in_dim3A_740 = vector.broadcast %jit3A_739 : f32 to vector<824x1xf32>
    %select_n3A_741 = arith.select %lt3A_738, %add3A_735, %broadcast_in_dim3A_740 : vector<824x1xi1>, vector<824x1xf32>
    %swap3A_742 = arith.constant 0 : index
    %swap3A_743 = arith.constant 28 : index
    %swap3A_744 = vector.load %arg9[%swap3A_742, %swap3A_743] : memref<824x51xf32, #tpu.memory_space<vmem>>, vector<824x1xf32>
    tpu.vector_store %arg9[%swap3A_742, %swap3A_743], %select_n3A_741 {strides = array<i32>} : memref<824x51xf32, #tpu.memory_space<vmem>>, vector<824x1xf32>,
    %slice3A_745 = vector.extract_strided_slice %slice3A_38 {offsets = [24, 0], sizes = [824, 384], strides = [1, 1]} : vector<872x384xf32> to vector<824x384xf32>
    %slice3A_746 = vector.extract_strided_slice %slice3A_46 {offsets = [24, 0], sizes = [824, 128], strides = [1, 1]} : vector<872x128xf32> to vector<824x128xf32>
    %slice3A_747 = vector.extract_strided_slice %slice3A_54 {offsets = [24, 0], sizes = [824, 1], strides = [1, 1]} : vector<872x1xf32> to vector<824x1xf32>
    %add3A_748 = arith.addf %add3A_17, %slice3A_746 : vector<824x128xf32>
    %mul3A_749 = arith.mulf %slice3A_18, %slice3A_745 : vector<824x384xf32>
    %dot_general3A_750 = arith.constant dense<0.000000e+00> : vector<824x128xf32>
    %dot_general3A_751 = tpu.matmul %mul3A_749, %get3A_28, %dot_general3A_750 {dimension_numbers = #tpu.dot_dimension_numbers<[1], [0], [0], [1], [0, 0, 1, 1], [], []>, transpose_lhs_hint = false} : vector<824x384xf32>, vector<384x128xf32>, vector<824x128xf32> -> vector<824x128xf32>
    %add3A_752 = arith.addf %add3A_748, %dot_general3A_751 : vector<824x128xf32>
    %max3A_753 = arith.constant 0.000000e+00 : f32
    %max3A_754 = vector.broadcast %max3A_753 : f32 to vector<824x128xf32>
    %max3A_755 = arith.maximumf %add3A_752, %max3A_754 : vector<824x128xf32>
    %dot_general3A_756 = arith.constant dense<0.000000e+00> : vector<824x1xf32>
    %dot_general3A_757 = tpu.matmul %max3A_755, %get3A_31, %dot_general3A_756 {dimension_numbers = #tpu.dot_dimension_numbers<[1], [0], [0], [1], [0, 0, 1, 1], [], []>, transpose_lhs_hint = false} : vector<824x128xf32>, vector<128x1xf32>, vector<824x1xf32> -> vector<824x1xf32>
    %add3A_758 = arith.addf %dot_general3A_757, %slice3A_747 : vector<824x1xf32>
    %add3A_759 = arith.addf %add3A_758, %add3A_25 : vector<824x1xf32>
    %lt3A_760 = arith.constant 789 : i32
    %lt3A_761 = vector.broadcast %lt3A_760 : i32 to vector<824x1xi32>
    %lt3A_762 = arith.cmpi slt, %iota3A, %lt3A_761 : vector<824x1xi32>
    %jit3A_763 = arith.constant -1.000000e+09 : f32
    %broadcast_in_dim3A_764 = vector.broadcast %jit3A_763 : f32 to vector<824x1xf32>
    %select_n3A_765 = arith.select %lt3A_762, %add3A_759, %broadcast_in_dim3A_764 : vector<824x1xi1>, vector<824x1xf32>
    %swap3A_766 = arith.constant 0 : index
    %swap3A_767 = arith.constant 29 : index
    %swap3A_768 = vector.load %arg9[%swap3A_766, %swap3A_767] : memref<824x51xf32, #tpu.memory_space<vmem>>, vector<824x1xf32>
    tpu.vector_store %arg9[%swap3A_766, %swap3A_767], %select_n3A_765 {strides = array<i32>} : memref<824x51xf32, #tpu.memory_space<vmem>>, vector<824x1xf32>,
    %slice3A_769 = vector.extract_strided_slice %slice3A_39 {offsets = [24, 0], sizes = [824, 384], strides = [1, 1]} : vector<872x384xf32> to vector<824x384xf32>
    %slice3A_770 = vector.extract_strided_slice %slice3A_47 {offsets = [24, 0], sizes = [824, 128], strides = [1, 1]} : vector<872x128xf32> to vector<824x128xf32>
    %slice3A_771 = vector.extract_strided_slice %slice3A_55 {offsets = [24, 0], sizes = [824, 1], strides = [1, 1]} : vector<872x1xf32> to vector<824x1xf32>
    %add3A_772 = arith.addf %add3A_17, %slice3A_770 : vector<824x128xf32>
    %mul3A_773 = arith.mulf %slice3A_18, %slice3A_769 : vector<824x384xf32>
    %dot_general3A_774 = arith.constant dense<0.000000e+00> : vector<824x128xf32>
    %dot_general3A_775 = tpu.matmul %mul3A_773, %get3A_28, %dot_general3A_774 {dimension_numbers = #tpu.dot_dimension_numbers<[1], [0], [0], [1], [0, 0, 1, 1], [], []>, transpose_lhs_hint = false} : vector<824x384xf32>, vector<384x128xf32>, vector<824x128xf32> -> vector<824x128xf32>
    %add3A_776 = arith.addf %add3A_772, %dot_general3A_775 : vector<824x128xf32>
    %max3A_777 = arith.constant 0.000000e+00 : f32
    %max3A_778 = vector.broadcast %max3A_777 : f32 to vector<824x128xf32>
    %max3A_779 = arith.maximumf %add3A_776, %max3A_778 : vector<824x128xf32>
    %dot_general3A_780 = arith.constant dense<0.000000e+00> : vector<824x1xf32>
    %dot_general3A_781 = tpu.matmul %max3A_779, %get3A_31, %dot_general3A_780 {dimension_numbers = #tpu.dot_dimension_numbers<[1], [0], [0], [1], [0, 0, 1, 1], [], []>, transpose_lhs_hint = false} : vector<824x128xf32>, vector<128x1xf32>, vector<824x1xf32> -> vector<824x1xf32>
    %add3A_782 = arith.addf %dot_general3A_781, %slice3A_771 : vector<824x1xf32>
    %add3A_783 = arith.addf %add3A_782, %add3A_25 : vector<824x1xf32>
    %lt3A_784 = arith.constant 788 : i32
    %lt3A_785 = vector.broadcast %lt3A_784 : i32 to vector<824x1xi32>
    %lt3A_786 = arith.cmpi slt, %iota3A, %lt3A_785 : vector<824x1xi32>
    %jit3A_787 = arith.constant -1.000000e+09 : f32
    %broadcast_in_dim3A_788 = vector.broadcast %jit3A_787 : f32 to vector<824x1xf32>
    %select_n3A_789 = arith.select %lt3A_786, %add3A_783, %broadcast_in_dim3A_788 : vector<824x1xi1>, vector<824x1xf32>
    %swap3A_790 = arith.constant 0 : index
    %swap3A_791 = arith.constant 30 : index
    %swap3A_792 = vector.load %arg9[%swap3A_790, %swap3A_791] : memref<824x51xf32, #tpu.memory_space<vmem>>, vector<824x1xf32>
    tpu.vector_store %arg9[%swap3A_790, %swap3A_791], %select_n3A_789 {strides = array<i32>} : memref<824x51xf32, #tpu.memory_space<vmem>>, vector<824x1xf32>,
    %slice3A_793 = vector.extract_strided_slice %slice3A_32 {offsets = [32, 0], sizes = [824, 384], strides = [1, 1]} : vector<872x384xf32> to vector<824x384xf32>
    %slice3A_794 = vector.extract_strided_slice %slice3A_40 {offsets = [32, 0], sizes = [824, 128], strides = [1, 1]} : vector<872x128xf32> to vector<824x128xf32>
    %slice3A_795 = vector.extract_strided_slice %slice3A_48 {offsets = [32, 0], sizes = [824, 1], strides = [1, 1]} : vector<872x1xf32> to vector<824x1xf32>
    %add3A_796 = arith.addf %add3A_17, %slice3A_794 : vector<824x128xf32>
    %mul3A_797 = arith.mulf %slice3A_18, %slice3A_793 : vector<824x384xf32>
    %dot_general3A_798 = arith.constant dense<0.000000e+00> : vector<824x128xf32>
    %dot_general3A_799 = tpu.matmul %mul3A_797, %get3A_28, %dot_general3A_798 {dimension_numbers = #tpu.dot_dimension_numbers<[1], [0], [0], [1], [0, 0, 1, 1], [], []>, transpose_lhs_hint = false} : vector<824x384xf32>, vector<384x128xf32>, vector<824x128xf32> -> vector<824x128xf32>
    %add3A_800 = arith.addf %add3A_796, %dot_general3A_799 : vector<824x128xf32>
    %max3A_801 = arith.constant 0.000000e+00 : f32
    %max3A_802 = vector.broadcast %max3A_801 : f32 to vector<824x128xf32>
    %max3A_803 = arith.maximumf %add3A_800, %max3A_802 : vector<824x128xf32>
    %dot_general3A_804 = arith.constant dense<0.000000e+00> : vector<824x1xf32>
    %dot_general3A_805 = tpu.matmul %max3A_803, %get3A_31, %dot_general3A_804 {dimension_numbers = #tpu.dot_dimension_numbers<[1], [0], [0], [1], [0, 0, 1, 1], [], []>, transpose_lhs_hint = false} : vector<824x128xf32>, vector<128x1xf32>, vector<824x1xf32> -> vector<824x1xf32>
    %add3A_806 = arith.addf %dot_general3A_805, %slice3A_795 : vector<824x1xf32>
    %add3A_807 = arith.addf %add3A_806, %add3A_25 : vector<824x1xf32>
    %lt3A_808 = arith.constant 787 : i32
    %lt3A_809 = vector.broadcast %lt3A_808 : i32 to vector<824x1xi32>
    %lt3A_810 = arith.cmpi slt, %iota3A, %lt3A_809 : vector<824x1xi32>
    %jit3A_811 = arith.constant -1.000000e+09 : f32
    %broadcast_in_dim3A_812 = vector.broadcast %jit3A_811 : f32 to vector<824x1xf32>
    %select_n3A_813 = arith.select %lt3A_810, %add3A_807, %broadcast_in_dim3A_812 : vector<824x1xi1>, vector<824x1xf32>
    %swap3A_814 = arith.constant 0 : index
    %swap3A_815 = arith.constant 31 : index
    %swap3A_816 = vector.load %arg9[%swap3A_814, %swap3A_815] : memref<824x51xf32, #tpu.memory_space<vmem>>, vector<824x1xf32>
    tpu.vector_store %arg9[%swap3A_814, %swap3A_815], %select_n3A_813 {strides = array<i32>} : memref<824x51xf32, #tpu.memory_space<vmem>>, vector<824x1xf32>,
    %slice3A_817 = vector.extract_strided_slice %slice3A_33 {offsets = [32, 0], sizes = [824, 384], strides = [1, 1]} : vector<872x384xf32> to vector<824x384xf32>
    %slice3A_818 = vector.extract_strided_slice %slice3A_41 {offsets = [32, 0], sizes = [824, 128], strides = [1, 1]} : vector<872x128xf32> to vector<824x128xf32>
    %slice3A_819 = vector.extract_strided_slice %slice3A_49 {offsets = [32, 0], sizes = [824, 1], strides = [1, 1]} : vector<872x1xf32> to vector<824x1xf32>
    %add3A_820 = arith.addf %add3A_17, %slice3A_818 : vector<824x128xf32>
    %mul3A_821 = arith.mulf %slice3A_18, %slice3A_817 : vector<824x384xf32>
    %dot_general3A_822 = arith.constant dense<0.000000e+00> : vector<824x128xf32>
    %dot_general3A_823 = tpu.matmul %mul3A_821, %get3A_28, %dot_general3A_822 {dimension_numbers = #tpu.dot_dimension_numbers<[1], [0], [0], [1], [0, 0, 1, 1], [], []>, transpose_lhs_hint = false} : vector<824x384xf32>, vector<384x128xf32>, vector<824x128xf32> -> vector<824x128xf32>
    %add3A_824 = arith.addf %add3A_820, %dot_general3A_823 : vector<824x128xf32>
    %max3A_825 = arith.constant 0.000000e+00 : f32
    %max3A_826 = vector.broadcast %max3A_825 : f32 to vector<824x128xf32>
    %max3A_827 = arith.maximumf %add3A_824, %max3A_826 : vector<824x128xf32>
    %dot_general3A_828 = arith.constant dense<0.000000e+00> : vector<824x1xf32>
    %dot_general3A_829 = tpu.matmul %max3A_827, %get3A_31, %dot_general3A_828 {dimension_numbers = #tpu.dot_dimension_numbers<[1], [0], [0], [1], [0, 0, 1, 1], [], []>, transpose_lhs_hint = false} : vector<824x128xf32>, vector<128x1xf32>, vector<824x1xf32> -> vector<824x1xf32>
    %add3A_830 = arith.addf %dot_general3A_829, %slice3A_819 : vector<824x1xf32>
    %add3A_831 = arith.addf %add3A_830, %add3A_25 : vector<824x1xf32>
    %lt3A_832 = arith.constant 786 : i32
    %lt3A_833 = vector.broadcast %lt3A_832 : i32 to vector<824x1xi32>
    %lt3A_834 = arith.cmpi slt, %iota3A, %lt3A_833 : vector<824x1xi32>
    %jit3A_835 = arith.constant -1.000000e+09 : f32
    %broadcast_in_dim3A_836 = vector.broadcast %jit3A_835 : f32 to vector<824x1xf32>
    %select_n3A_837 = arith.select %lt3A_834, %add3A_831, %broadcast_in_dim3A_836 : vector<824x1xi1>, vector<824x1xf32>
    %swap3A_838 = arith.constant 0 : index
    %swap3A_839 = arith.constant 32 : index
    %swap3A_840 = vector.load %arg9[%swap3A_838, %swap3A_839] : memref<824x51xf32, #tpu.memory_space<vmem>>, vector<824x1xf32>
    tpu.vector_store %arg9[%swap3A_838, %swap3A_839], %select_n3A_837 {strides = array<i32>} : memref<824x51xf32, #tpu.memory_space<vmem>>, vector<824x1xf32>,
    %slice3A_841 = vector.extract_strided_slice %slice3A_34 {offsets = [32, 0], sizes = [824, 384], strides = [1, 1]} : vector<872x384xf32> to vector<824x384xf32>
    %slice3A_842 = vector.extract_strided_slice %slice3A_42 {offsets = [32, 0], sizes = [824, 128], strides = [1, 1]} : vector<872x128xf32> to vector<824x128xf32>
    %slice3A_843 = vector.extract_strided_slice %slice3A_50 {offsets = [32, 0], sizes = [824, 1], strides = [1, 1]} : vector<872x1xf32> to vector<824x1xf32>
    %add3A_844 = arith.addf %add3A_17, %slice3A_842 : vector<824x128xf32>
    %mul3A_845 = arith.mulf %slice3A_18, %slice3A_841 : vector<824x384xf32>
    %dot_general3A_846 = arith.constant dense<0.000000e+00> : vector<824x128xf32>
    %dot_general3A_847 = tpu.matmul %mul3A_845, %get3A_28, %dot_general3A_846 {dimension_numbers = #tpu.dot_dimension_numbers<[1], [0], [0], [1], [0, 0, 1, 1], [], []>, transpose_lhs_hint = false} : vector<824x384xf32>, vector<384x128xf32>, vector<824x128xf32> -> vector<824x128xf32>
    %add3A_848 = arith.addf %add3A_844, %dot_general3A_847 : vector<824x128xf32>
    %max3A_849 = arith.constant 0.000000e+00 : f32
    %max3A_850 = vector.broadcast %max3A_849 : f32 to vector<824x128xf32>
    %max3A_851 = arith.maximumf %add3A_848, %max3A_850 : vector<824x128xf32>
    %dot_general3A_852 = arith.constant dense<0.000000e+00> : vector<824x1xf32>
    %dot_general3A_853 = tpu.matmul %max3A_851, %get3A_31, %dot_general3A_852 {dimension_numbers = #tpu.dot_dimension_numbers<[1], [0], [0], [1], [0, 0, 1, 1], [], []>, transpose_lhs_hint = false} : vector<824x128xf32>, vector<128x1xf32>, vector<824x1xf32> -> vector<824x1xf32>
    %add3A_854 = arith.addf %dot_general3A_853, %slice3A_843 : vector<824x1xf32>
    %add3A_855 = arith.addf %add3A_854, %add3A_25 : vector<824x1xf32>
    %lt3A_856 = arith.constant 785 : i32
    %lt3A_857 = vector.broadcast %lt3A_856 : i32 to vector<824x1xi32>
    %lt3A_858 = arith.cmpi slt, %iota3A, %lt3A_857 : vector<824x1xi32>
    %jit3A_859 = arith.constant -1.000000e+09 : f32
    %broadcast_in_dim3A_860 = vector.broadcast %jit3A_859 : f32 to vector<824x1xf32>
    %select_n3A_861 = arith.select %lt3A_858, %add3A_855, %broadcast_in_dim3A_860 : vector<824x1xi1>, vector<824x1xf32>
    %swap3A_862 = arith.constant 0 : index
    %swap3A_863 = arith.constant 33 : index
    %swap3A_864 = vector.load %arg9[%swap3A_862, %swap3A_863] : memref<824x51xf32, #tpu.memory_space<vmem>>, vector<824x1xf32>
    tpu.vector_store %arg9[%swap3A_862, %swap3A_863], %select_n3A_861 {strides = array<i32>} : memref<824x51xf32, #tpu.memory_space<vmem>>, vector<824x1xf32>,
    %slice3A_865 = vector.extract_strided_slice %slice3A_35 {offsets = [32, 0], sizes = [824, 384], strides = [1, 1]} : vector<872x384xf32> to vector<824x384xf32>
    %slice3A_866 = vector.extract_strided_slice %slice3A_43 {offsets = [32, 0], sizes = [824, 128], strides = [1, 1]} : vector<872x128xf32> to vector<824x128xf32>
    %slice3A_867 = vector.extract_strided_slice %slice3A_51 {offsets = [32, 0], sizes = [824, 1], strides = [1, 1]} : vector<872x1xf32> to vector<824x1xf32>
    %add3A_868 = arith.addf %add3A_17, %slice3A_866 : vector<824x128xf32>
    %mul3A_869 = arith.mulf %slice3A_18, %slice3A_865 : vector<824x384xf32>
    %dot_general3A_870 = arith.constant dense<0.000000e+00> : vector<824x128xf32>
    %dot_general3A_871 = tpu.matmul %mul3A_869, %get3A_28, %dot_general3A_870 {dimension_numbers = #tpu.dot_dimension_numbers<[1], [0], [0], [1], [0, 0, 1, 1], [], []>, transpose_lhs_hint = false} : vector<824x384xf32>, vector<384x128xf32>, vector<824x128xf32> -> vector<824x128xf32>
    %add3A_872 = arith.addf %add3A_868, %dot_general3A_871 : vector<824x128xf32>
    %max3A_873 = arith.constant 0.000000e+00 : f32
    %max3A_874 = vector.broadcast %max3A_873 : f32 to vector<824x128xf32>
    %max3A_875 = arith.maximumf %add3A_872, %max3A_874 : vector<824x128xf32>
    %dot_general3A_876 = arith.constant dense<0.000000e+00> : vector<824x1xf32>
    %dot_general3A_877 = tpu.matmul %max3A_875, %get3A_31, %dot_general3A_876 {dimension_numbers = #tpu.dot_dimension_numbers<[1], [0], [0], [1], [0, 0, 1, 1], [], []>, transpose_lhs_hint = false} : vector<824x128xf32>, vector<128x1xf32>, vector<824x1xf32> -> vector<824x1xf32>
    %add3A_878 = arith.addf %dot_general3A_877, %slice3A_867 : vector<824x1xf32>
    %add3A_879 = arith.addf %add3A_878, %add3A_25 : vector<824x1xf32>
    %lt3A_880 = arith.constant 784 : i32
    %lt3A_881 = vector.broadcast %lt3A_880 : i32 to vector<824x1xi32>
    %lt3A_882 = arith.cmpi slt, %iota3A, %lt3A_881 : vector<824x1xi32>
    %jit3A_883 = arith.constant -1.000000e+09 : f32
    %broadcast_in_dim3A_884 = vector.broadcast %jit3A_883 : f32 to vector<824x1xf32>
    %select_n3A_885 = arith.select %lt3A_882, %add3A_879, %broadcast_in_dim3A_884 : vector<824x1xi1>, vector<824x1xf32>
    %swap3A_886 = arith.constant 0 : index
    %swap3A_887 = arith.constant 34 : index
    %swap3A_888 = vector.load %arg9[%swap3A_886, %swap3A_887] : memref<824x51xf32, #tpu.memory_space<vmem>>, vector<824x1xf32>
    tpu.vector_store %arg9[%swap3A_886, %swap3A_887], %select_n3A_885 {strides = array<i32>} : memref<824x51xf32, #tpu.memory_space<vmem>>, vector<824x1xf32>,
    %slice3A_889 = vector.extract_strided_slice %slice3A_36 {offsets = [32, 0], sizes = [824, 384], strides = [1, 1]} : vector<872x384xf32> to vector<824x384xf32>
    %slice3A_890 = vector.extract_strided_slice %slice3A_44 {offsets = [32, 0], sizes = [824, 128], strides = [1, 1]} : vector<872x128xf32> to vector<824x128xf32>
    %slice3A_891 = vector.extract_strided_slice %slice3A_52 {offsets = [32, 0], sizes = [824, 1], strides = [1, 1]} : vector<872x1xf32> to vector<824x1xf32>
    %add3A_892 = arith.addf %add3A_17, %slice3A_890 : vector<824x128xf32>
    %mul3A_893 = arith.mulf %slice3A_18, %slice3A_889 : vector<824x384xf32>
    %dot_general3A_894 = arith.constant dense<0.000000e+00> : vector<824x128xf32>
    %dot_general3A_895 = tpu.matmul %mul3A_893, %get3A_28, %dot_general3A_894 {dimension_numbers = #tpu.dot_dimension_numbers<[1], [0], [0], [1], [0, 0, 1, 1], [], []>, transpose_lhs_hint = false} : vector<824x384xf32>, vector<384x128xf32>, vector<824x128xf32> -> vector<824x128xf32>
    %add3A_896 = arith.addf %add3A_892, %dot_general3A_895 : vector<824x128xf32>
    %max3A_897 = arith.constant 0.000000e+00 : f32
    %max3A_898 = vector.broadcast %max3A_897 : f32 to vector<824x128xf32>
    %max3A_899 = arith.maximumf %add3A_896, %max3A_898 : vector<824x128xf32>
    %dot_general3A_900 = arith.constant dense<0.000000e+00> : vector<824x1xf32>
    %dot_general3A_901 = tpu.matmul %max3A_899, %get3A_31, %dot_general3A_900 {dimension_numbers = #tpu.dot_dimension_numbers<[1], [0], [0], [1], [0, 0, 1, 1], [], []>, transpose_lhs_hint = false} : vector<824x128xf32>, vector<128x1xf32>, vector<824x1xf32> -> vector<824x1xf32>
    %add3A_902 = arith.addf %dot_general3A_901, %slice3A_891 : vector<824x1xf32>
    %add3A_903 = arith.addf %add3A_902, %add3A_25 : vector<824x1xf32>
    %lt3A_904 = arith.constant 783 : i32
    %lt3A_905 = vector.broadcast %lt3A_904 : i32 to vector<824x1xi32>
    %lt3A_906 = arith.cmpi slt, %iota3A, %lt3A_905 : vector<824x1xi32>
    %jit3A_907 = arith.constant -1.000000e+09 : f32
    %broadcast_in_dim3A_908 = vector.broadcast %jit3A_907 : f32 to vector<824x1xf32>
    %select_n3A_909 = arith.select %lt3A_906, %add3A_903, %broadcast_in_dim3A_908 : vector<824x1xi1>, vector<824x1xf32>
    %swap3A_910 = arith.constant 0 : index
    %swap3A_911 = arith.constant 35 : index
    %swap3A_912 = vector.load %arg9[%swap3A_910, %swap3A_911] : memref<824x51xf32, #tpu.memory_space<vmem>>, vector<824x1xf32>
    tpu.vector_store %arg9[%swap3A_910, %swap3A_911], %select_n3A_909 {strides = array<i32>} : memref<824x51xf32, #tpu.memory_space<vmem>>, vector<824x1xf32>,
    %slice3A_913 = vector.extract_strided_slice %slice3A_37 {offsets = [32, 0], sizes = [824, 384], strides = [1, 1]} : vector<872x384xf32> to vector<824x384xf32>
    %slice3A_914 = vector.extract_strided_slice %slice3A_45 {offsets = [32, 0], sizes = [824, 128], strides = [1, 1]} : vector<872x128xf32> to vector<824x128xf32>
    %slice3A_915 = vector.extract_strided_slice %slice3A_53 {offsets = [32, 0], sizes = [824, 1], strides = [1, 1]} : vector<872x1xf32> to vector<824x1xf32>
    %add3A_916 = arith.addf %add3A_17, %slice3A_914 : vector<824x128xf32>
    %mul3A_917 = arith.mulf %slice3A_18, %slice3A_913 : vector<824x384xf32>
    %dot_general3A_918 = arith.constant dense<0.000000e+00> : vector<824x128xf32>
    %dot_general3A_919 = tpu.matmul %mul3A_917, %get3A_28, %dot_general3A_918 {dimension_numbers = #tpu.dot_dimension_numbers<[1], [0], [0], [1], [0, 0, 1, 1], [], []>, transpose_lhs_hint = false} : vector<824x384xf32>, vector<384x128xf32>, vector<824x128xf32> -> vector<824x128xf32>
    %add3A_920 = arith.addf %add3A_916, %dot_general3A_919 : vector<824x128xf32>
    %max3A_921 = arith.constant 0.000000e+00 : f32
    %max3A_922 = vector.broadcast %max3A_921 : f32 to vector<824x128xf32>
    %max3A_923 = arith.maximumf %add3A_920, %max3A_922 : vector<824x128xf32>
    %dot_general3A_924 = arith.constant dense<0.000000e+00> : vector<824x1xf32>
    %dot_general3A_925 = tpu.matmul %max3A_923, %get3A_31, %dot_general3A_924 {dimension_numbers = #tpu.dot_dimension_numbers<[1], [0], [0], [1], [0, 0, 1, 1], [], []>, transpose_lhs_hint = false} : vector<824x128xf32>, vector<128x1xf32>, vector<824x1xf32> -> vector<824x1xf32>
    %add3A_926 = arith.addf %dot_general3A_925, %slice3A_915 : vector<824x1xf32>
    %add3A_927 = arith.addf %add3A_926, %add3A_25 : vector<824x1xf32>
    %lt3A_928 = arith.constant 782 : i32
    %lt3A_929 = vector.broadcast %lt3A_928 : i32 to vector<824x1xi32>
    %lt3A_930 = arith.cmpi slt, %iota3A, %lt3A_929 : vector<824x1xi32>
    %jit3A_931 = arith.constant -1.000000e+09 : f32
    %broadcast_in_dim3A_932 = vector.broadcast %jit3A_931 : f32 to vector<824x1xf32>
    %select_n3A_933 = arith.select %lt3A_930, %add3A_927, %broadcast_in_dim3A_932 : vector<824x1xi1>, vector<824x1xf32>
    %swap3A_934 = arith.constant 0 : index
    %swap3A_935 = arith.constant 36 : index
    %swap3A_936 = vector.load %arg9[%swap3A_934, %swap3A_935] : memref<824x51xf32, #tpu.memory_space<vmem>>, vector<824x1xf32>
    tpu.vector_store %arg9[%swap3A_934, %swap3A_935], %select_n3A_933 {strides = array<i32>} : memref<824x51xf32, #tpu.memory_space<vmem>>, vector<824x1xf32>,
    %slice3A_937 = vector.extract_strided_slice %slice3A_38 {offsets = [32, 0], sizes = [824, 384], strides = [1, 1]} : vector<872x384xf32> to vector<824x384xf32>
    %slice3A_938 = vector.extract_strided_slice %slice3A_46 {offsets = [32, 0], sizes = [824, 128], strides = [1, 1]} : vector<872x128xf32> to vector<824x128xf32>
    %slice3A_939 = vector.extract_strided_slice %slice3A_54 {offsets = [32, 0], sizes = [824, 1], strides = [1, 1]} : vector<872x1xf32> to vector<824x1xf32>
    %add3A_940 = arith.addf %add3A_17, %slice3A_938 : vector<824x128xf32>
    %mul3A_941 = arith.mulf %slice3A_18, %slice3A_937 : vector<824x384xf32>
    %dot_general3A_942 = arith.constant dense<0.000000e+00> : vector<824x128xf32>
    %dot_general3A_943 = tpu.matmul %mul3A_941, %get3A_28, %dot_general3A_942 {dimension_numbers = #tpu.dot_dimension_numbers<[1], [0], [0], [1], [0, 0, 1, 1], [], []>, transpose_lhs_hint = false} : vector<824x384xf32>, vector<384x128xf32>, vector<824x128xf32> -> vector<824x128xf32>
    %add3A_944 = arith.addf %add3A_940, %dot_general3A_943 : vector<824x128xf32>
    %max3A_945 = arith.constant 0.000000e+00 : f32
    %max3A_946 = vector.broadcast %max3A_945 : f32 to vector<824x128xf32>
    %max3A_947 = arith.maximumf %add3A_944, %max3A_946 : vector<824x128xf32>
    %dot_general3A_948 = arith.constant dense<0.000000e+00> : vector<824x1xf32>
    %dot_general3A_949 = tpu.matmul %max3A_947, %get3A_31, %dot_general3A_948 {dimension_numbers = #tpu.dot_dimension_numbers<[1], [0], [0], [1], [0, 0, 1, 1], [], []>, transpose_lhs_hint = false} : vector<824x128xf32>, vector<128x1xf32>, vector<824x1xf32> -> vector<824x1xf32>
    %add3A_950 = arith.addf %dot_general3A_949, %slice3A_939 : vector<824x1xf32>
    %add3A_951 = arith.addf %add3A_950, %add3A_25 : vector<824x1xf32>
    %lt3A_952 = arith.constant 781 : i32
    %lt3A_953 = vector.broadcast %lt3A_952 : i32 to vector<824x1xi32>
    %lt3A_954 = arith.cmpi slt, %iota3A, %lt3A_953 : vector<824x1xi32>
    %jit3A_955 = arith.constant -1.000000e+09 : f32
    %broadcast_in_dim3A_956 = vector.broadcast %jit3A_955 : f32 to vector<824x1xf32>
    %select_n3A_957 = arith.select %lt3A_954, %add3A_951, %broadcast_in_dim3A_956 : vector<824x1xi1>, vector<824x1xf32>
    %swap3A_958 = arith.constant 0 : index
    %swap3A_959 = arith.constant 37 : index
    %swap3A_960 = vector.load %arg9[%swap3A_958, %swap3A_959] : memref<824x51xf32, #tpu.memory_space<vmem>>, vector<824x1xf32>
    tpu.vector_store %arg9[%swap3A_958, %swap3A_959], %select_n3A_957 {strides = array<i32>} : memref<824x51xf32, #tpu.memory_space<vmem>>, vector<824x1xf32>,
    %slice3A_961 = vector.extract_strided_slice %slice3A_39 {offsets = [32, 0], sizes = [824, 384], strides = [1, 1]} : vector<872x384xf32> to vector<824x384xf32>
    %slice3A_962 = vector.extract_strided_slice %slice3A_47 {offsets = [32, 0], sizes = [824, 128], strides = [1, 1]} : vector<872x128xf32> to vector<824x128xf32>
    %slice3A_963 = vector.extract_strided_slice %slice3A_55 {offsets = [32, 0], sizes = [824, 1], strides = [1, 1]} : vector<872x1xf32> to vector<824x1xf32>
    %add3A_964 = arith.addf %add3A_17, %slice3A_962 : vector<824x128xf32>
    %mul3A_965 = arith.mulf %slice3A_18, %slice3A_961 : vector<824x384xf32>
    %dot_general3A_966 = arith.constant dense<0.000000e+00> : vector<824x128xf32>
    %dot_general3A_967 = tpu.matmul %mul3A_965, %get3A_28, %dot_general3A_966 {dimension_numbers = #tpu.dot_dimension_numbers<[1], [0], [0], [1], [0, 0, 1, 1], [], []>, transpose_lhs_hint = false} : vector<824x384xf32>, vector<384x128xf32>, vector<824x128xf32> -> vector<824x128xf32>
    %add3A_968 = arith.addf %add3A_964, %dot_general3A_967 : vector<824x128xf32>
    %max3A_969 = arith.constant 0.000000e+00 : f32
    %max3A_970 = vector.broadcast %max3A_969 : f32 to vector<824x128xf32>
    %max3A_971 = arith.maximumf %add3A_968, %max3A_970 : vector<824x128xf32>
    %dot_general3A_972 = arith.constant dense<0.000000e+00> : vector<824x1xf32>
    %dot_general3A_973 = tpu.matmul %max3A_971, %get3A_31, %dot_general3A_972 {dimension_numbers = #tpu.dot_dimension_numbers<[1], [0], [0], [1], [0, 0, 1, 1], [], []>, transpose_lhs_hint = false} : vector<824x128xf32>, vector<128x1xf32>, vector<824x1xf32> -> vector<824x1xf32>
    %add3A_974 = arith.addf %dot_general3A_973, %slice3A_963 : vector<824x1xf32>
    %add3A_975 = arith.addf %add3A_974, %add3A_25 : vector<824x1xf32>
    %lt3A_976 = arith.constant 780 : i32
    %lt3A_977 = vector.broadcast %lt3A_976 : i32 to vector<824x1xi32>
    %lt3A_978 = arith.cmpi slt, %iota3A, %lt3A_977 : vector<824x1xi32>
    %jit3A_979 = arith.constant -1.000000e+09 : f32
    %broadcast_in_dim3A_980 = vector.broadcast %jit3A_979 : f32 to vector<824x1xf32>
    %select_n3A_981 = arith.select %lt3A_978, %add3A_975, %broadcast_in_dim3A_980 : vector<824x1xi1>, vector<824x1xf32>
    %swap3A_982 = arith.constant 0 : index
    %swap3A_983 = arith.constant 38 : index
    %swap3A_984 = vector.load %arg9[%swap3A_982, %swap3A_983] : memref<824x51xf32, #tpu.memory_space<vmem>>, vector<824x1xf32>
    tpu.vector_store %arg9[%swap3A_982, %swap3A_983], %select_n3A_981 {strides = array<i32>} : memref<824x51xf32, #tpu.memory_space<vmem>>, vector<824x1xf32>,
    %slice3A_985 = vector.extract_strided_slice %slice3A_32 {offsets = [40, 0], sizes = [824, 384], strides = [1, 1]} : vector<872x384xf32> to vector<824x384xf32>
    %slice3A_986 = vector.extract_strided_slice %slice3A_40 {offsets = [40, 0], sizes = [824, 128], strides = [1, 1]} : vector<872x128xf32> to vector<824x128xf32>
    %slice3A_987 = vector.extract_strided_slice %slice3A_48 {offsets = [40, 0], sizes = [824, 1], strides = [1, 1]} : vector<872x1xf32> to vector<824x1xf32>
    %add3A_988 = arith.addf %add3A_17, %slice3A_986 : vector<824x128xf32>
    %mul3A_989 = arith.mulf %slice3A_18, %slice3A_985 : vector<824x384xf32>
    %dot_general3A_990 = arith.constant dense<0.000000e+00> : vector<824x128xf32>
    %dot_general3A_991 = tpu.matmul %mul3A_989, %get3A_28, %dot_general3A_990 {dimension_numbers = #tpu.dot_dimension_numbers<[1], [0], [0], [1], [0, 0, 1, 1], [], []>, transpose_lhs_hint = false} : vector<824x384xf32>, vector<384x128xf32>, vector<824x128xf32> -> vector<824x128xf32>
    %add3A_992 = arith.addf %add3A_988, %dot_general3A_991 : vector<824x128xf32>
    %max3A_993 = arith.constant 0.000000e+00 : f32
    %max3A_994 = vector.broadcast %max3A_993 : f32 to vector<824x128xf32>
    %max3A_995 = arith.maximumf %add3A_992, %max3A_994 : vector<824x128xf32>
    %dot_general3A_996 = arith.constant dense<0.000000e+00> : vector<824x1xf32>
    %dot_general3A_997 = tpu.matmul %max3A_995, %get3A_31, %dot_general3A_996 {dimension_numbers = #tpu.dot_dimension_numbers<[1], [0], [0], [1], [0, 0, 1, 1], [], []>, transpose_lhs_hint = false} : vector<824x128xf32>, vector<128x1xf32>, vector<824x1xf32> -> vector<824x1xf32>
    %add3A_998 = arith.addf %dot_general3A_997, %slice3A_987 : vector<824x1xf32>
    %add3A_999 = arith.addf %add3A_998, %add3A_25 : vector<824x1xf32>
    %lt3A_1000 = arith.constant 779 : i32
    %lt3A_1001 = vector.broadcast %lt3A_1000 : i32 to vector<824x1xi32>
    %lt3A_1002 = arith.cmpi slt, %iota3A, %lt3A_1001 : vector<824x1xi32>
    %jit3A_1003 = arith.constant -1.000000e+09 : f32
    %broadcast_in_dim3A_1004 = vector.broadcast %jit3A_1003 : f32 to vector<824x1xf32>
    %select_n3A_1005 = arith.select %lt3A_1002, %add3A_999, %broadcast_in_dim3A_1004 : vector<824x1xi1>, vector<824x1xf32>
    %swap3A_1006 = arith.constant 0 : index
    %swap3A_1007 = arith.constant 39 : index
    %swap3A_1008 = vector.load %arg9[%swap3A_1006, %swap3A_1007] : memref<824x51xf32, #tpu.memory_space<vmem>>, vector<824x1xf32>
    tpu.vector_store %arg9[%swap3A_1006, %swap3A_1007], %select_n3A_1005 {strides = array<i32>} : memref<824x51xf32, #tpu.memory_space<vmem>>, vector<824x1xf32>,
    %slice3A_1009 = vector.extract_strided_slice %slice3A_33 {offsets = [40, 0], sizes = [824, 384], strides = [1, 1]} : vector<872x384xf32> to vector<824x384xf32>
    %slice3A_1010 = vector.extract_strided_slice %slice3A_41 {offsets = [40, 0], sizes = [824, 128], strides = [1, 1]} : vector<872x128xf32> to vector<824x128xf32>
    %slice3A_1011 = vector.extract_strided_slice %slice3A_49 {offsets = [40, 0], sizes = [824, 1], strides = [1, 1]} : vector<872x1xf32> to vector<824x1xf32>
    %add3A_1012 = arith.addf %add3A_17, %slice3A_1010 : vector<824x128xf32>
    %mul3A_1013 = arith.mulf %slice3A_18, %slice3A_1009 : vector<824x384xf32>
    %dot_general3A_1014 = arith.constant dense<0.000000e+00> : vector<824x128xf32>
    %dot_general3A_1015 = tpu.matmul %mul3A_1013, %get3A_28, %dot_general3A_1014 {dimension_numbers = #tpu.dot_dimension_numbers<[1], [0], [0], [1], [0, 0, 1, 1], [], []>, transpose_lhs_hint = false} : vector<824x384xf32>, vector<384x128xf32>, vector<824x128xf32> -> vector<824x128xf32>
    %add3A_1016 = arith.addf %add3A_1012, %dot_general3A_1015 : vector<824x128xf32>
    %max3A_1017 = arith.constant 0.000000e+00 : f32
    %max3A_1018 = vector.broadcast %max3A_1017 : f32 to vector<824x128xf32>
    %max3A_1019 = arith.maximumf %add3A_1016, %max3A_1018 : vector<824x128xf32>
    %dot_general3A_1020 = arith.constant dense<0.000000e+00> : vector<824x1xf32>
    %dot_general3A_1021 = tpu.matmul %max3A_1019, %get3A_31, %dot_general3A_1020 {dimension_numbers = #tpu.dot_dimension_numbers<[1], [0], [0], [1], [0, 0, 1, 1], [], []>, transpose_lhs_hint = false} : vector<824x128xf32>, vector<128x1xf32>, vector<824x1xf32> -> vector<824x1xf32>
    %add3A_1022 = arith.addf %dot_general3A_1021, %slice3A_1011 : vector<824x1xf32>
    %add3A_1023 = arith.addf %add3A_1022, %add3A_25 : vector<824x1xf32>
    %lt3A_1024 = arith.constant 778 : i32
    %lt3A_1025 = vector.broadcast %lt3A_1024 : i32 to vector<824x1xi32>
    %lt3A_1026 = arith.cmpi slt, %iota3A, %lt3A_1025 : vector<824x1xi32>
    %jit3A_1027 = arith.constant -1.000000e+09 : f32
    %broadcast_in_dim3A_1028 = vector.broadcast %jit3A_1027 : f32 to vector<824x1xf32>
    %select_n3A_1029 = arith.select %lt3A_1026, %add3A_1023, %broadcast_in_dim3A_1028 : vector<824x1xi1>, vector<824x1xf32>
    %swap3A_1030 = arith.constant 0 : index
    %swap3A_1031 = arith.constant 40 : index
    %swap3A_1032 = vector.load %arg9[%swap3A_1030, %swap3A_1031] : memref<824x51xf32, #tpu.memory_space<vmem>>, vector<824x1xf32>
    tpu.vector_store %arg9[%swap3A_1030, %swap3A_1031], %select_n3A_1029 {strides = array<i32>} : memref<824x51xf32, #tpu.memory_space<vmem>>, vector<824x1xf32>,
    %slice3A_1033 = vector.extract_strided_slice %slice3A_34 {offsets = [40, 0], sizes = [824, 384], strides = [1, 1]} : vector<872x384xf32> to vector<824x384xf32>
    %slice3A_1034 = vector.extract_strided_slice %slice3A_42 {offsets = [40, 0], sizes = [824, 128], strides = [1, 1]} : vector<872x128xf32> to vector<824x128xf32>
    %slice3A_1035 = vector.extract_strided_slice %slice3A_50 {offsets = [40, 0], sizes = [824, 1], strides = [1, 1]} : vector<872x1xf32> to vector<824x1xf32>
    %add3A_1036 = arith.addf %add3A_17, %slice3A_1034 : vector<824x128xf32>
    %mul3A_1037 = arith.mulf %slice3A_18, %slice3A_1033 : vector<824x384xf32>
    %dot_general3A_1038 = arith.constant dense<0.000000e+00> : vector<824x128xf32>
    %dot_general3A_1039 = tpu.matmul %mul3A_1037, %get3A_28, %dot_general3A_1038 {dimension_numbers = #tpu.dot_dimension_numbers<[1], [0], [0], [1], [0, 0, 1, 1], [], []>, transpose_lhs_hint = false} : vector<824x384xf32>, vector<384x128xf32>, vector<824x128xf32> -> vector<824x128xf32>
    %add3A_1040 = arith.addf %add3A_1036, %dot_general3A_1039 : vector<824x128xf32>
    %max3A_1041 = arith.constant 0.000000e+00 : f32
    %max3A_1042 = vector.broadcast %max3A_1041 : f32 to vector<824x128xf32>
    %max3A_1043 = arith.maximumf %add3A_1040, %max3A_1042 : vector<824x128xf32>
    %dot_general3A_1044 = arith.constant dense<0.000000e+00> : vector<824x1xf32>
    %dot_general3A_1045 = tpu.matmul %max3A_1043, %get3A_31, %dot_general3A_1044 {dimension_numbers = #tpu.dot_dimension_numbers<[1], [0], [0], [1], [0, 0, 1, 1], [], []>, transpose_lhs_hint = false} : vector<824x128xf32>, vector<128x1xf32>, vector<824x1xf32> -> vector<824x1xf32>
    %add3A_1046 = arith.addf %dot_general3A_1045, %slice3A_1035 : vector<824x1xf32>
    %add3A_1047 = arith.addf %add3A_1046, %add3A_25 : vector<824x1xf32>
    %lt3A_1048 = arith.constant 777 : i32
    %lt3A_1049 = vector.broadcast %lt3A_1048 : i32 to vector<824x1xi32>
    %lt3A_1050 = arith.cmpi slt, %iota3A, %lt3A_1049 : vector<824x1xi32>
    %jit3A_1051 = arith.constant -1.000000e+09 : f32
    %broadcast_in_dim3A_1052 = vector.broadcast %jit3A_1051 : f32 to vector<824x1xf32>
    %select_n3A_1053 = arith.select %lt3A_1050, %add3A_1047, %broadcast_in_dim3A_1052 : vector<824x1xi1>, vector<824x1xf32>
    %swap3A_1054 = arith.constant 0 : index
    %swap3A_1055 = arith.constant 41 : index
    %swap3A_1056 = vector.load %arg9[%swap3A_1054, %swap3A_1055] : memref<824x51xf32, #tpu.memory_space<vmem>>, vector<824x1xf32>
    tpu.vector_store %arg9[%swap3A_1054, %swap3A_1055], %select_n3A_1053 {strides = array<i32>} : memref<824x51xf32, #tpu.memory_space<vmem>>, vector<824x1xf32>,
    %slice3A_1057 = vector.extract_strided_slice %slice3A_35 {offsets = [40, 0], sizes = [824, 384], strides = [1, 1]} : vector<872x384xf32> to vector<824x384xf32>
    %slice3A_1058 = vector.extract_strided_slice %slice3A_43 {offsets = [40, 0], sizes = [824, 128], strides = [1, 1]} : vector<872x128xf32> to vector<824x128xf32>
    %slice3A_1059 = vector.extract_strided_slice %slice3A_51 {offsets = [40, 0], sizes = [824, 1], strides = [1, 1]} : vector<872x1xf32> to vector<824x1xf32>
    %add3A_1060 = arith.addf %add3A_17, %slice3A_1058 : vector<824x128xf32>
    %mul3A_1061 = arith.mulf %slice3A_18, %slice3A_1057 : vector<824x384xf32>
    %dot_general3A_1062 = arith.constant dense<0.000000e+00> : vector<824x128xf32>
    %dot_general3A_1063 = tpu.matmul %mul3A_1061, %get3A_28, %dot_general3A_1062 {dimension_numbers = #tpu.dot_dimension_numbers<[1], [0], [0], [1], [0, 0, 1, 1], [], []>, transpose_lhs_hint = false} : vector<824x384xf32>, vector<384x128xf32>, vector<824x128xf32> -> vector<824x128xf32>
    %add3A_1064 = arith.addf %add3A_1060, %dot_general3A_1063 : vector<824x128xf32>
    %max3A_1065 = arith.constant 0.000000e+00 : f32
    %max3A_1066 = vector.broadcast %max3A_1065 : f32 to vector<824x128xf32>
    %max3A_1067 = arith.maximumf %add3A_1064, %max3A_1066 : vector<824x128xf32>
    %dot_general3A_1068 = arith.constant dense<0.000000e+00> : vector<824x1xf32>
    %dot_general3A_1069 = tpu.matmul %max3A_1067, %get3A_31, %dot_general3A_1068 {dimension_numbers = #tpu.dot_dimension_numbers<[1], [0], [0], [1], [0, 0, 1, 1], [], []>, transpose_lhs_hint = false} : vector<824x128xf32>, vector<128x1xf32>, vector<824x1xf32> -> vector<824x1xf32>
    %add3A_1070 = arith.addf %dot_general3A_1069, %slice3A_1059 : vector<824x1xf32>
    %add3A_1071 = arith.addf %add3A_1070, %add3A_25 : vector<824x1xf32>
    %lt3A_1072 = arith.constant 776 : i32
    %lt3A_1073 = vector.broadcast %lt3A_1072 : i32 to vector<824x1xi32>
    %lt3A_1074 = arith.cmpi slt, %iota3A, %lt3A_1073 : vector<824x1xi32>
    %jit3A_1075 = arith.constant -1.000000e+09 : f32
    %broadcast_in_dim3A_1076 = vector.broadcast %jit3A_1075 : f32 to vector<824x1xf32>
    %select_n3A_1077 = arith.select %lt3A_1074, %add3A_1071, %broadcast_in_dim3A_1076 : vector<824x1xi1>, vector<824x1xf32>
    %swap3A_1078 = arith.constant 0 : index
    %swap3A_1079 = arith.constant 42 : index
    %swap3A_1080 = vector.load %arg9[%swap3A_1078, %swap3A_1079] : memref<824x51xf32, #tpu.memory_space<vmem>>, vector<824x1xf32>
    tpu.vector_store %arg9[%swap3A_1078, %swap3A_1079], %select_n3A_1077 {strides = array<i32>} : memref<824x51xf32, #tpu.memory_space<vmem>>, vector<824x1xf32>,
    %slice3A_1081 = vector.extract_strided_slice %slice3A_36 {offsets = [40, 0], sizes = [824, 384], strides = [1, 1]} : vector<872x384xf32> to vector<824x384xf32>
    %slice3A_1082 = vector.extract_strided_slice %slice3A_44 {offsets = [40, 0], sizes = [824, 128], strides = [1, 1]} : vector<872x128xf32> to vector<824x128xf32>
    %slice3A_1083 = vector.extract_strided_slice %slice3A_52 {offsets = [40, 0], sizes = [824, 1], strides = [1, 1]} : vector<872x1xf32> to vector<824x1xf32>
    %add3A_1084 = arith.addf %add3A_17, %slice3A_1082 : vector<824x128xf32>
    %mul3A_1085 = arith.mulf %slice3A_18, %slice3A_1081 : vector<824x384xf32>
    %dot_general3A_1086 = arith.constant dense<0.000000e+00> : vector<824x128xf32>
    %dot_general3A_1087 = tpu.matmul %mul3A_1085, %get3A_28, %dot_general3A_1086 {dimension_numbers = #tpu.dot_dimension_numbers<[1], [0], [0], [1], [0, 0, 1, 1], [], []>, transpose_lhs_hint = false} : vector<824x384xf32>, vector<384x128xf32>, vector<824x128xf32> -> vector<824x128xf32>
    %add3A_1088 = arith.addf %add3A_1084, %dot_general3A_1087 : vector<824x128xf32>
    %max3A_1089 = arith.constant 0.000000e+00 : f32
    %max3A_1090 = vector.broadcast %max3A_1089 : f32 to vector<824x128xf32>
    %max3A_1091 = arith.maximumf %add3A_1088, %max3A_1090 : vector<824x128xf32>
    %dot_general3A_1092 = arith.constant dense<0.000000e+00> : vector<824x1xf32>
    %dot_general3A_1093 = tpu.matmul %max3A_1091, %get3A_31, %dot_general3A_1092 {dimension_numbers = #tpu.dot_dimension_numbers<[1], [0], [0], [1], [0, 0, 1, 1], [], []>, transpose_lhs_hint = false} : vector<824x128xf32>, vector<128x1xf32>, vector<824x1xf32> -> vector<824x1xf32>
    %add3A_1094 = arith.addf %dot_general3A_1093, %slice3A_1083 : vector<824x1xf32>
    %add3A_1095 = arith.addf %add3A_1094, %add3A_25 : vector<824x1xf32>
    %lt3A_1096 = arith.constant 775 : i32
    %lt3A_1097 = vector.broadcast %lt3A_1096 : i32 to vector<824x1xi32>
    %lt3A_1098 = arith.cmpi slt, %iota3A, %lt3A_1097 : vector<824x1xi32>
    %jit3A_1099 = arith.constant -1.000000e+09 : f32
    %broadcast_in_dim3A_1100 = vector.broadcast %jit3A_1099 : f32 to vector<824x1xf32>
    %select_n3A_1101 = arith.select %lt3A_1098, %add3A_1095, %broadcast_in_dim3A_1100 : vector<824x1xi1>, vector<824x1xf32>
    %swap3A_1102 = arith.constant 0 : index
    %swap3A_1103 = arith.constant 43 : index
    %swap3A_1104 = vector.load %arg9[%swap3A_1102, %swap3A_1103] : memref<824x51xf32, #tpu.memory_space<vmem>>, vector<824x1xf32>
    tpu.vector_store %arg9[%swap3A_1102, %swap3A_1103], %select_n3A_1101 {strides = array<i32>} : memref<824x51xf32, #tpu.memory_space<vmem>>, vector<824x1xf32>,
    %slice3A_1105 = vector.extract_strided_slice %slice3A_37 {offsets = [40, 0], sizes = [824, 384], strides = [1, 1]} : vector<872x384xf32> to vector<824x384xf32>
    %slice3A_1106 = vector.extract_strided_slice %slice3A_45 {offsets = [40, 0], sizes = [824, 128], strides = [1, 1]} : vector<872x128xf32> to vector<824x128xf32>
    %slice3A_1107 = vector.extract_strided_slice %slice3A_53 {offsets = [40, 0], sizes = [824, 1], strides = [1, 1]} : vector<872x1xf32> to vector<824x1xf32>
    %add3A_1108 = arith.addf %add3A_17, %slice3A_1106 : vector<824x128xf32>
    %mul3A_1109 = arith.mulf %slice3A_18, %slice3A_1105 : vector<824x384xf32>
    %dot_general3A_1110 = arith.constant dense<0.000000e+00> : vector<824x128xf32>
    %dot_general3A_1111 = tpu.matmul %mul3A_1109, %get3A_28, %dot_general3A_1110 {dimension_numbers = #tpu.dot_dimension_numbers<[1], [0], [0], [1], [0, 0, 1, 1], [], []>, transpose_lhs_hint = false} : vector<824x384xf32>, vector<384x128xf32>, vector<824x128xf32> -> vector<824x128xf32>
    %add3A_1112 = arith.addf %add3A_1108, %dot_general3A_1111 : vector<824x128xf32>
    %max3A_1113 = arith.constant 0.000000e+00 : f32
    %max3A_1114 = vector.broadcast %max3A_1113 : f32 to vector<824x128xf32>
    %max3A_1115 = arith.maximumf %add3A_1112, %max3A_1114 : vector<824x128xf32>
    %dot_general3A_1116 = arith.constant dense<0.000000e+00> : vector<824x1xf32>
    %dot_general3A_1117 = tpu.matmul %max3A_1115, %get3A_31, %dot_general3A_1116 {dimension_numbers = #tpu.dot_dimension_numbers<[1], [0], [0], [1], [0, 0, 1, 1], [], []>, transpose_lhs_hint = false} : vector<824x128xf32>, vector<128x1xf32>, vector<824x1xf32> -> vector<824x1xf32>
    %add3A_1118 = arith.addf %dot_general3A_1117, %slice3A_1107 : vector<824x1xf32>
    %add3A_1119 = arith.addf %add3A_1118, %add3A_25 : vector<824x1xf32>
    %lt3A_1120 = arith.constant 774 : i32
    %lt3A_1121 = vector.broadcast %lt3A_1120 : i32 to vector<824x1xi32>
    %lt3A_1122 = arith.cmpi slt, %iota3A, %lt3A_1121 : vector<824x1xi32>
    %jit3A_1123 = arith.constant -1.000000e+09 : f32
    %broadcast_in_dim3A_1124 = vector.broadcast %jit3A_1123 : f32 to vector<824x1xf32>
    %select_n3A_1125 = arith.select %lt3A_1122, %add3A_1119, %broadcast_in_dim3A_1124 : vector<824x1xi1>, vector<824x1xf32>
    %swap3A_1126 = arith.constant 0 : index
    %swap3A_1127 = arith.constant 44 : index
    %swap3A_1128 = vector.load %arg9[%swap3A_1126, %swap3A_1127] : memref<824x51xf32, #tpu.memory_space<vmem>>, vector<824x1xf32>
    tpu.vector_store %arg9[%swap3A_1126, %swap3A_1127], %select_n3A_1125 {strides = array<i32>} : memref<824x51xf32, #tpu.memory_space<vmem>>, vector<824x1xf32>,
    %slice3A_1129 = vector.extract_strided_slice %slice3A_38 {offsets = [40, 0], sizes = [824, 384], strides = [1, 1]} : vector<872x384xf32> to vector<824x384xf32>
    %slice3A_1130 = vector.extract_strided_slice %slice3A_46 {offsets = [40, 0], sizes = [824, 128], strides = [1, 1]} : vector<872x128xf32> to vector<824x128xf32>
    %slice3A_1131 = vector.extract_strided_slice %slice3A_54 {offsets = [40, 0], sizes = [824, 1], strides = [1, 1]} : vector<872x1xf32> to vector<824x1xf32>
    %add3A_1132 = arith.addf %add3A_17, %slice3A_1130 : vector<824x128xf32>
    %mul3A_1133 = arith.mulf %slice3A_18, %slice3A_1129 : vector<824x384xf32>
    %dot_general3A_1134 = arith.constant dense<0.000000e+00> : vector<824x128xf32>
    %dot_general3A_1135 = tpu.matmul %mul3A_1133, %get3A_28, %dot_general3A_1134 {dimension_numbers = #tpu.dot_dimension_numbers<[1], [0], [0], [1], [0, 0, 1, 1], [], []>, transpose_lhs_hint = false} : vector<824x384xf32>, vector<384x128xf32>, vector<824x128xf32> -> vector<824x128xf32>
    %add3A_1136 = arith.addf %add3A_1132, %dot_general3A_1135 : vector<824x128xf32>
    %max3A_1137 = arith.constant 0.000000e+00 : f32
    %max3A_1138 = vector.broadcast %max3A_1137 : f32 to vector<824x128xf32>
    %max3A_1139 = arith.maximumf %add3A_1136, %max3A_1138 : vector<824x128xf32>
    %dot_general3A_1140 = arith.constant dense<0.000000e+00> : vector<824x1xf32>
    %dot_general3A_1141 = tpu.matmul %max3A_1139, %get3A_31, %dot_general3A_1140 {dimension_numbers = #tpu.dot_dimension_numbers<[1], [0], [0], [1], [0, 0, 1, 1], [], []>, transpose_lhs_hint = false} : vector<824x128xf32>, vector<128x1xf32>, vector<824x1xf32> -> vector<824x1xf32>
    %add3A_1142 = arith.addf %dot_general3A_1141, %slice3A_1131 : vector<824x1xf32>
    %add3A_1143 = arith.addf %add3A_1142, %add3A_25 : vector<824x1xf32>
    %lt3A_1144 = arith.constant 773 : i32
    %lt3A_1145 = vector.broadcast %lt3A_1144 : i32 to vector<824x1xi32>
    %lt3A_1146 = arith.cmpi slt, %iota3A, %lt3A_1145 : vector<824x1xi32>
    %jit3A_1147 = arith.constant -1.000000e+09 : f32
    %broadcast_in_dim3A_1148 = vector.broadcast %jit3A_1147 : f32 to vector<824x1xf32>
    %select_n3A_1149 = arith.select %lt3A_1146, %add3A_1143, %broadcast_in_dim3A_1148 : vector<824x1xi1>, vector<824x1xf32>
    %swap3A_1150 = arith.constant 0 : index
    %swap3A_1151 = arith.constant 45 : index
    %swap3A_1152 = vector.load %arg9[%swap3A_1150, %swap3A_1151] : memref<824x51xf32, #tpu.memory_space<vmem>>, vector<824x1xf32>
    tpu.vector_store %arg9[%swap3A_1150, %swap3A_1151], %select_n3A_1149 {strides = array<i32>} : memref<824x51xf32, #tpu.memory_space<vmem>>, vector<824x1xf32>,
    %slice3A_1153 = vector.extract_strided_slice %slice3A_39 {offsets = [40, 0], sizes = [824, 384], strides = [1, 1]} : vector<872x384xf32> to vector<824x384xf32>
    %slice3A_1154 = vector.extract_strided_slice %slice3A_47 {offsets = [40, 0], sizes = [824, 128], strides = [1, 1]} : vector<872x128xf32> to vector<824x128xf32>
    %slice3A_1155 = vector.extract_strided_slice %slice3A_55 {offsets = [40, 0], sizes = [824, 1], strides = [1, 1]} : vector<872x1xf32> to vector<824x1xf32>
    %add3A_1156 = arith.addf %add3A_17, %slice3A_1154 : vector<824x128xf32>
    %mul3A_1157 = arith.mulf %slice3A_18, %slice3A_1153 : vector<824x384xf32>
    %dot_general3A_1158 = arith.constant dense<0.000000e+00> : vector<824x128xf32>
    %dot_general3A_1159 = tpu.matmul %mul3A_1157, %get3A_28, %dot_general3A_1158 {dimension_numbers = #tpu.dot_dimension_numbers<[1], [0], [0], [1], [0, 0, 1, 1], [], []>, transpose_lhs_hint = false} : vector<824x384xf32>, vector<384x128xf32>, vector<824x128xf32> -> vector<824x128xf32>
    %add3A_1160 = arith.addf %add3A_1156, %dot_general3A_1159 : vector<824x128xf32>
    %max3A_1161 = arith.constant 0.000000e+00 : f32
    %max3A_1162 = vector.broadcast %max3A_1161 : f32 to vector<824x128xf32>
    %max3A_1163 = arith.maximumf %add3A_1160, %max3A_1162 : vector<824x128xf32>
    %dot_general3A_1164 = arith.constant dense<0.000000e+00> : vector<824x1xf32>
    %dot_general3A_1165 = tpu.matmul %max3A_1163, %get3A_31, %dot_general3A_1164 {dimension_numbers = #tpu.dot_dimension_numbers<[1], [0], [0], [1], [0, 0, 1, 1], [], []>, transpose_lhs_hint = false} : vector<824x128xf32>, vector<128x1xf32>, vector<824x1xf32> -> vector<824x1xf32>
    %add3A_1166 = arith.addf %dot_general3A_1165, %slice3A_1155 : vector<824x1xf32>
    %add3A_1167 = arith.addf %add3A_1166, %add3A_25 : vector<824x1xf32>
    %lt3A_1168 = arith.constant 772 : i32
    %lt3A_1169 = vector.broadcast %lt3A_1168 : i32 to vector<824x1xi32>
    %lt3A_1170 = arith.cmpi slt, %iota3A, %lt3A_1169 : vector<824x1xi32>
    %jit3A_1171 = arith.constant -1.000000e+09 : f32
    %broadcast_in_dim3A_1172 = vector.broadcast %jit3A_1171 : f32 to vector<824x1xf32>
    %select_n3A_1173 = arith.select %lt3A_1170, %add3A_1167, %broadcast_in_dim3A_1172 : vector<824x1xi1>, vector<824x1xf32>
    %swap3A_1174 = arith.constant 0 : index
    %swap3A_1175 = arith.constant 46 : index
    %swap3A_1176 = vector.load %arg9[%swap3A_1174, %swap3A_1175] : memref<824x51xf32, #tpu.memory_space<vmem>>, vector<824x1xf32>
    tpu.vector_store %arg9[%swap3A_1174, %swap3A_1175], %select_n3A_1173 {strides = array<i32>} : memref<824x51xf32, #tpu.memory_space<vmem>>, vector<824x1xf32>,
    %slice3A_1177 = vector.extract_strided_slice %slice3A_32 {offsets = [48, 0], sizes = [824, 384], strides = [1, 1]} : vector<872x384xf32> to vector<824x384xf32>
    %slice3A_1178 = vector.extract_strided_slice %slice3A_40 {offsets = [48, 0], sizes = [824, 128], strides = [1, 1]} : vector<872x128xf32> to vector<824x128xf32>
    %slice3A_1179 = vector.extract_strided_slice %slice3A_48 {offsets = [48, 0], sizes = [824, 1], strides = [1, 1]} : vector<872x1xf32> to vector<824x1xf32>
    %add3A_1180 = arith.addf %add3A_17, %slice3A_1178 : vector<824x128xf32>
    %mul3A_1181 = arith.mulf %slice3A_18, %slice3A_1177 : vector<824x384xf32>
    %dot_general3A_1182 = arith.constant dense<0.000000e+00> : vector<824x128xf32>
    %dot_general3A_1183 = tpu.matmul %mul3A_1181, %get3A_28, %dot_general3A_1182 {dimension_numbers = #tpu.dot_dimension_numbers<[1], [0], [0], [1], [0, 0, 1, 1], [], []>, transpose_lhs_hint = false} : vector<824x384xf32>, vector<384x128xf32>, vector<824x128xf32> -> vector<824x128xf32>
    %add3A_1184 = arith.addf %add3A_1180, %dot_general3A_1183 : vector<824x128xf32>
    %max3A_1185 = arith.constant 0.000000e+00 : f32
    %max3A_1186 = vector.broadcast %max3A_1185 : f32 to vector<824x128xf32>
    %max3A_1187 = arith.maximumf %add3A_1184, %max3A_1186 : vector<824x128xf32>
    %dot_general3A_1188 = arith.constant dense<0.000000e+00> : vector<824x1xf32>
    %dot_general3A_1189 = tpu.matmul %max3A_1187, %get3A_31, %dot_general3A_1188 {dimension_numbers = #tpu.dot_dimension_numbers<[1], [0], [0], [1], [0, 0, 1, 1], [], []>, transpose_lhs_hint = false} : vector<824x128xf32>, vector<128x1xf32>, vector<824x1xf32> -> vector<824x1xf32>
    %add3A_1190 = arith.addf %dot_general3A_1189, %slice3A_1179 : vector<824x1xf32>
    %add3A_1191 = arith.addf %add3A_1190, %add3A_25 : vector<824x1xf32>
    %lt3A_1192 = arith.constant 771 : i32
    %lt3A_1193 = vector.broadcast %lt3A_1192 : i32 to vector<824x1xi32>
    %lt3A_1194 = arith.cmpi slt, %iota3A, %lt3A_1193 : vector<824x1xi32>
    %jit3A_1195 = arith.constant -1.000000e+09 : f32
    %broadcast_in_dim3A_1196 = vector.broadcast %jit3A_1195 : f32 to vector<824x1xf32>
    %select_n3A_1197 = arith.select %lt3A_1194, %add3A_1191, %broadcast_in_dim3A_1196 : vector<824x1xi1>, vector<824x1xf32>
    %swap3A_1198 = arith.constant 0 : index
    %swap3A_1199 = arith.constant 47 : index
    %swap3A_1200 = vector.load %arg9[%swap3A_1198, %swap3A_1199] : memref<824x51xf32, #tpu.memory_space<vmem>>, vector<824x1xf32>
    tpu.vector_store %arg9[%swap3A_1198, %swap3A_1199], %select_n3A_1197 {strides = array<i32>} : memref<824x51xf32, #tpu.memory_space<vmem>>, vector<824x1xf32>,
    %slice3A_1201 = vector.extract_strided_slice %slice3A_33 {offsets = [48, 0], sizes = [824, 384], strides = [1, 1]} : vector<872x384xf32> to vector<824x384xf32>
    %slice3A_1202 = vector.extract_strided_slice %slice3A_41 {offsets = [48, 0], sizes = [824, 128], strides = [1, 1]} : vector<872x128xf32> to vector<824x128xf32>
    %slice3A_1203 = vector.extract_strided_slice %slice3A_49 {offsets = [48, 0], sizes = [824, 1], strides = [1, 1]} : vector<872x1xf32> to vector<824x1xf32>
    %add3A_1204 = arith.addf %add3A_17, %slice3A_1202 : vector<824x128xf32>
    %mul3A_1205 = arith.mulf %slice3A_18, %slice3A_1201 : vector<824x384xf32>
    %dot_general3A_1206 = arith.constant dense<0.000000e+00> : vector<824x128xf32>
    %dot_general3A_1207 = tpu.matmul %mul3A_1205, %get3A_28, %dot_general3A_1206 {dimension_numbers = #tpu.dot_dimension_numbers<[1], [0], [0], [1], [0, 0, 1, 1], [], []>, transpose_lhs_hint = false} : vector<824x384xf32>, vector<384x128xf32>, vector<824x128xf32> -> vector<824x128xf32>
    %add3A_1208 = arith.addf %add3A_1204, %dot_general3A_1207 : vector<824x128xf32>
    %max3A_1209 = arith.constant 0.000000e+00 : f32
    %max3A_1210 = vector.broadcast %max3A_1209 : f32 to vector<824x128xf32>
    %max3A_1211 = arith.maximumf %add3A_1208, %max3A_1210 : vector<824x128xf32>
    %dot_general3A_1212 = arith.constant dense<0.000000e+00> : vector<824x1xf32>
    %dot_general3A_1213 = tpu.matmul %max3A_1211, %get3A_31, %dot_general3A_1212 {dimension_numbers = #tpu.dot_dimension_numbers<[1], [0], [0], [1], [0, 0, 1, 1], [], []>, transpose_lhs_hint = false} : vector<824x128xf32>, vector<128x1xf32>, vector<824x1xf32> -> vector<824x1xf32>
    %add3A_1214 = arith.addf %dot_general3A_1213, %slice3A_1203 : vector<824x1xf32>
    %add3A_1215 = arith.addf %add3A_1214, %add3A_25 : vector<824x1xf32>
    %lt3A_1216 = arith.constant 770 : i32
    %lt3A_1217 = vector.broadcast %lt3A_1216 : i32 to vector<824x1xi32>
    %lt3A_1218 = arith.cmpi slt, %iota3A, %lt3A_1217 : vector<824x1xi32>
    %jit3A_1219 = arith.constant -1.000000e+09 : f32
    %broadcast_in_dim3A_1220 = vector.broadcast %jit3A_1219 : f32 to vector<824x1xf32>
    %select_n3A_1221 = arith.select %lt3A_1218, %add3A_1215, %broadcast_in_dim3A_1220 : vector<824x1xi1>, vector<824x1xf32>
    %swap3A_1222 = arith.constant 0 : index
    %swap3A_1223 = arith.constant 48 : index
    %swap3A_1224 = vector.load %arg9[%swap3A_1222, %swap3A_1223] : memref<824x51xf32, #tpu.memory_space<vmem>>, vector<824x1xf32>
    tpu.vector_store %arg9[%swap3A_1222, %swap3A_1223], %select_n3A_1221 {strides = array<i32>} : memref<824x51xf32, #tpu.memory_space<vmem>>, vector<824x1xf32>,
    %slice3A_1225 = vector.extract_strided_slice %slice3A_34 {offsets = [48, 0], sizes = [824, 384], strides = [1, 1]} : vector<872x384xf32> to vector<824x384xf32>
    %slice3A_1226 = vector.extract_strided_slice %slice3A_42 {offsets = [48, 0], sizes = [824, 128], strides = [1, 1]} : vector<872x128xf32> to vector<824x128xf32>
    %slice3A_1227 = vector.extract_strided_slice %slice3A_50 {offsets = [48, 0], sizes = [824, 1], strides = [1, 1]} : vector<872x1xf32> to vector<824x1xf32>
    %add3A_1228 = arith.addf %add3A_17, %slice3A_1226 : vector<824x128xf32>
    %mul3A_1229 = arith.mulf %slice3A_18, %slice3A_1225 : vector<824x384xf32>
    %dot_general3A_1230 = arith.constant dense<0.000000e+00> : vector<824x128xf32>
    %dot_general3A_1231 = tpu.matmul %mul3A_1229, %get3A_28, %dot_general3A_1230 {dimension_numbers = #tpu.dot_dimension_numbers<[1], [0], [0], [1], [0, 0, 1, 1], [], []>, transpose_lhs_hint = false} : vector<824x384xf32>, vector<384x128xf32>, vector<824x128xf32> -> vector<824x128xf32>
    %add3A_1232 = arith.addf %add3A_1228, %dot_general3A_1231 : vector<824x128xf32>
    %max3A_1233 = arith.constant 0.000000e+00 : f32
    %max3A_1234 = vector.broadcast %max3A_1233 : f32 to vector<824x128xf32>
    %max3A_1235 = arith.maximumf %add3A_1232, %max3A_1234 : vector<824x128xf32>
    %dot_general3A_1236 = arith.constant dense<0.000000e+00> : vector<824x1xf32>
    %dot_general3A_1237 = tpu.matmul %max3A_1235, %get3A_31, %dot_general3A_1236 {dimension_numbers = #tpu.dot_dimension_numbers<[1], [0], [0], [1], [0, 0, 1, 1], [], []>, transpose_lhs_hint = false} : vector<824x128xf32>, vector<128x1xf32>, vector<824x1xf32> -> vector<824x1xf32>
    %add3A_1238 = arith.addf %dot_general3A_1237, %slice3A_1227 : vector<824x1xf32>
    %add3A_1239 = arith.addf %add3A_1238, %add3A_25 : vector<824x1xf32>
    %lt3A_1240 = arith.constant 769 : i32
    %lt3A_1241 = vector.broadcast %lt3A_1240 : i32 to vector<824x1xi32>
    %lt3A_1242 = arith.cmpi slt, %iota3A, %lt3A_1241 : vector<824x1xi32>
    %jit3A_1243 = arith.constant -1.000000e+09 : f32
    %broadcast_in_dim3A_1244 = vector.broadcast %jit3A_1243 : f32 to vector<824x1xf32>
    %select_n3A_1245 = arith.select %lt3A_1242, %add3A_1239, %broadcast_in_dim3A_1244 : vector<824x1xi1>, vector<824x1xf32>
    %swap3A_1246 = arith.constant 0 : index
    %swap3A_1247 = arith.constant 49 : index
    %swap3A_1248 = vector.load %arg9[%swap3A_1246, %swap3A_1247] : memref<824x51xf32, #tpu.memory_space<vmem>>, vector<824x1xf32>
    tpu.vector_store %arg9[%swap3A_1246, %swap3A_1247], %select_n3A_1245 {strides = array<i32>} : memref<824x51xf32, #tpu.memory_space<vmem>>, vector<824x1xf32>,
    %broadcast_in_dim3A_1249 = arith.constant 0.000000e+00 : f32
    %broadcast_in_dim3A_1250 = vector.broadcast %broadcast_in_dim3A_1249 : f32 to vector<824x1xf32>
    %swap3A_1251 = arith.constant 0 : index
    %swap3A_1252 = arith.constant 50 : index
    %swap3A_1253 = vector.load %arg9[%swap3A_1251, %swap3A_1252] : memref<824x51xf32, #tpu.memory_space<vmem>>, vector<824x1xf32>
    tpu.vector_store %arg9[%swap3A_1251, %swap3A_1252], %broadcast_in_dim3A_1250 {strides = array<i32>} : memref<824x51xf32, #tpu.memory_space<vmem>>, vector<824x1xf32>,
    %get3A_1254 = arith.constant 0 : index
    %get3A_1255 = arith.constant 0 : index
    %get3A_1256 = vector.load %arg9[%get3A_1254, %get3A_1255] : memref<824x51xf32, #tpu.memory_space<vmem>>, vector<824x51xf32>
    %reduce_max3A = arith.constant dense<0xFF800000> : vector<824xf32>
    %reduce_max3A_1257 = vector.multi_reduction <maximumf>, %get3A_1256, %reduce_max3A [1] : vector<824x51xf32> to vector<824xf32>
    %broadcast_in_dim3A_1258 = vector.shape_cast %reduce_max3A_1257 : vector<824xf32> to vector<824x1xf32>
    %sub3A = vector.broadcast %broadcast_in_dim3A_1258 : vector<824x1xf32> to vector<824x51xf32>
    %sub3A_1259 = arith.subf %get3A_1256, %sub3A : vector<824x51xf32>
    %exp3A = math.exp %sub3A_1259 : vector<824x51xf32>
    %reduce_sum3A = arith.constant dense<0.000000e+00> : vector<824xf32>
    %reduce_sum3A_1260 = vector.multi_reduction <add>, %exp3A, %reduce_sum3A [1] : vector<824x51xf32> to vector<824xf32>
    %broadcast_in_dim3A_1261 = vector.shape_cast %reduce_sum3A_1260 : vector<824xf32> to vector<824x1xf32>
    %div3A = vector.broadcast %broadcast_in_dim3A_1261 : vector<824x1xf32> to vector<824x51xf32>
    %div3A_1262 = arith.divf %exp3A, %div3A : vector<824x51xf32>
    %slice3A_1263 = vector.extract_strided_slice %div3A_1262 {offsets = [0, 0], sizes = [818, 51], strides = [1, 1]} : vector<824x51xf32> to vector<818x51xf32>
    %swap3A_1264 = arith.constant 0 : index
    %swap3A_1265 = arith.constant 0 : index
    %swap3A_1266 = vector.load %arg8[%swap3A_1264, %swap3A_1265] : memref<818x51xf32, #tpu.memory_space<vmem>>, vector<818x51xf32>
    tpu.vector_store %arg8[%swap3A_1264, %swap3A_1265], %slice3A_1263 {strides = array<i32>} : memref<818x51xf32, #tpu.memory_space<vmem>>, vector<818x51xf32>,
    return
  }
}

</mosaic_0001>

<sc_bundles>
// kernel: kernel.5.cloned.1.call-start
scs
__scs_entry_jumppad:
0x0: {  	(pc) =	sbr.rel $0x88, $3  }
0x1: {  	(tag) =	ssettag $0x0;
	lr =	simm.s32 $0x1  }
0x2: {  	[smem:$0x3F96] =	sst lr;
	_ =	strace $0xD0000000  }
0x3: {  	_ = 	snop  }
0x4: {  	_ = 	snop  }
0x5: {  	_ = 	snop  }
0x6: {  	_ = 	snop  }
0x7: {  	_ = 	snop  }
__scs_overlays_trampoline_lowered:
0x8: {  	[smem:$0x3FA5] =	sst s0  }
0x9: {  	[smem:$0x3FA6] =	sst s1  }
0xa: {  	[smem:$0x3FA7] =	sst s2  }
0xb: {  	[smem:$0x3FA8] =	sst s3  }
0xc: {  	[smem:$0x3FA9] =	sst s4  }
0xd: {  	[smem:$0x3FAA] =	sst s5  }
0xe: {  	[smem:$0x3FAB] =	sst s6  }
0xf: {  	[smem:$0x3FAC] =	sst s7  }
0x10: {  	[smem:$0x3FAD] =	sst s8  }
0x11: {  	[smem:$0x3FAE] =	sst s9;
	s0 =	simm.s32 @!p0 $0x0  }
0x12: {  	s1 =	sld [smem:$0x3F94];
	s0 =	simm.s32 @p0 $0x1  }
0x13: {  	[smem:$0x3FAF] =	sst s0;
	s0 =	simm.s32 @!p1 $0x0  }
0x14: {  	s2 =	sld [smem:$0x3F93];
	s0 =	simm.s32 @p1 $0x1  }
0x15: {  	[smem:$0x3FB0] =	sst s0;
	s0 =	simm.s32 @!p2 $0x0  }
0x16: {  	s3 =	sld [smem:$0x3FDB];
	s0 =	simm.s32 @p2 $0x1  }
0x17: {  	s4 =	simm.s32 $0x1BF5;
	[smem:$0x3FB2] =	sst s0  }
0x18: {  	s0 =	sld [smem:$0x3F95];
	_ =	swait.ge [sflag:s4], $0x0  }
0x19: {  	s7 =	sld [smem:$0x3F96]  }
0x1a: {  	s8 =	sadd.s32 $0xFFFFE003, lr  }
0x1b: {  	s9 =	sadd.s32 $0xFFFFFEF7, lr;
	s5 =	simm.s32 $0xFFFFFFFF;
	p2 =	slt.u32 s8, $0xFFFFF086  }
0x1c: {  	p1 =	slt.u32 s9, $0xF7A;
	s5 =	simm.s32 @!p2 $0x0  }
0x1d: {  	s5 =	simm.s32 @p1 $0x1;
	p0 =	seq.s32 s7, s2  }
0x1e: {  	s7 =	smul.u32 @!p0 $0xF7A, s2;
	p2 =	seq.s32 @!p0 s5, $0x0  }
0x1f: {  	s9 =	smul.u32 $0xF7A, s1;
	s8 =	simm.s32 @!p0 $0x1BF5;
	p2 =	por !p2, p0  }
0x20: {  	[sflag:s8] =	ssyncset.s32 @!p0 $0xFFFFF086;
	s6 =	sadd.s32 @!p0 s3, s7;
	s7 =	simm.s32 @!p0 $0x108  }
0x21: {  	s3 =	sadd.s32 s3, s9;
	s6 =	sadd.s32 @!p0 $0x88, s6;
	s7 =	simm.s32 @p2 $0x1082  }
0x22: {  	[simem:s7], [sflag:s8] =	dma.local @!p0 [hbm:s6], $0xF7A  }
0x23: {  	s9 =	sor.u32 $0xD0000000, s2;
	s6 =	simm.s32 $0x108;
	_ =	swait.ge @!p0 [sflag:s8], $0x0  }
0x24: {  	s3 =	sadd.s32 $0x88, s3;
	s6 =	simm.s32 @!p1 $0x1082;
	[sflag:s4] =	ssyncset.s32 $0xFFFFF086  }
0x25: {  	[simem:s6], [sflag:s4] =	dma.local [hbm:s3], $0xF7A  }
0x26: {  	[smem:$0x3F96] =	sst s1;
	(tag) =	ssettag s2;
	_ =	strace s9  }
0x27: {  	s1 =	sld [smem:$0x3FA6]  }
0x28: {  	s2 =	sld [smem:$0x3FA7]  }
0x29: {  	s4 =	sld [smem:$0x3FA9]  }
0x2a: {  	p0 =	seq.s32 s5, $0x0;
	s5 =	sld [smem:$0x3FAA]  }
0x2b: {  	s6 =	sld [smem:$0x3FAB]  }
0x2c: {  	s7 =	sld [smem:$0x3FAC]  }
0x2d: {  	s3 =	simm.s32 $0x108;
	s8 =	sld [smem:$0x3FAD]  }
0x2e: {  	s3 =	simm.s32 @!p0 $0x1082;
	s9 =	sld [smem:$0x3FAE]  }
0x2f: {  	lr =	sadd.s32 s0, s3;
	s0 =	sld [smem:$0x3FA5]  }
0x30: {  	s3 =	sld [smem:$0x3FA8]  }
0x31: {  	[smem:$0x3FB1] =	sst s10  }
0x32: {  	s10 =	sld [smem:$0x3FAF];
	_ =	sdelay $0x3  }
0x33: {  	p0 =	seq.s32 s10, $0x1;
	s10 =	sld [smem:$0x3FB1];
	_ =	sdelay $0x3  }
0x34: {  	[smem:$0x3FB1] =	sst s10  }
0x35: {  	s10 =	sld [smem:$0x3FB0];
	_ =	sdelay $0x3  }
0x36: {  	p1 =	seq.s32 s10, $0x1;
	s10 =	sld [smem:$0x3FB1];
	_ =	sdelay $0x3  }
0x37: {  	[smem:$0x3FB1] =	sst s10  }
0x38: {  	s10 =	sld [smem:$0x3FB2]  }
0x39: {  	_ = 	snop;
	(pc) =	sbr.ind lr, $3  }
0x3a: {  	_ = 	snop  }
0x3b: {  	_ = 	snop  }
0x3c: {  	p2 =	seq.s32 s10, $0x1;
	s10 =	sld [smem:$0x3FB1]  }
0x3d: {  	_ =	shalt  }
0x3e: {  	_ =	shalt  }
0x3f: {  	_ =	shalt  }
0x40: {  	_ =	shalt  }
0x41: {  	_ =	shalt  }
0x42: {  	_ =	shalt  }
0x43: {  	_ =	shalt  }
0x44: {  	_ =	shalt  }
0x45: {  	_ =	shalt  }
0x46: {  	_ =	shalt  }
0x47: {  	_ =	shalt  }
0x48: {  	_ =	shalt  }
0x49: {  	_ =	shalt  }
0x4a: {  	_ =	shalt  }
0x4b: {  	_ =	shalt  }
0x4c: {  	_ =	shalt  }
0x4d: {  	_ =	shalt  }
0x4e: {  	_ =	shalt  }
0x4f: {  	_ =	shalt  }
0x50: {  	_ =	shalt  }
0x51: {  	_ =	shalt  }
0x52: {  	_ =	shalt  }
0x53: {  	_ =	shalt  }
0x54: {  	_ =	shalt  }
0x55: {  	_ =	shalt  }
0x56: {  	_ =	shalt  }
0x57: {  	_ =	shalt  }
0x58: {  	_ =	shalt  }
0x59: {  	_ =	shalt  }
0x5a: {  	_ =	shalt  }
0x5b: {  	_ =	shalt  }
0x5c: {  	_ =	shalt  }
0x5d: {  	_ =	shalt  }
0x5e: {  	_ =	shalt  }
0x5f: {  	_ =	shalt  }
0x60: {  	_ =	shalt  }
0x61: {  	_ =	shalt  }
0x62: {  	_ =	shalt  }
0x63: {  	_ =	shalt  }
0x64: {  	_ =	shalt  }
0x65: {  	_ =	shalt  }
0x66: {  	_ =	shalt  }
0x67: {  	_ =	shalt  }
0x68: {  	_ =	shalt  }
0x69: {  	_ =	shalt  }
0x6a: {  	_ =	shalt  }
0x6b: {  	_ =	shalt  }
0x6c: {  	_ =	shalt  }
0x6d: {  	_ =	shalt  }
0x6e: {  	_ =	shalt  }
0x6f: {  	_ =	shalt  }
0x70: {  	_ =	shalt  }
0x71: {  	_ =	shalt  }
0x72: {  	_ =	shalt  }
0x73: {  	_ =	shalt  }
0x74: {  	_ =	shalt  }
0x75: {  	_ =	shalt  }
0x76: {  	_ =	shalt  }
0x77: {  	_ =	shalt  }
0x78: {  	_ =	shalt  }
0x79: {  	_ =	shalt  }
0x7a: {  	_ =	shalt  }
0x7b: {  	_ =	shalt  }
0x7c: {  	_ =	shalt  }
0x7d: {  	_ =	shalt  }
0x7e: {  	_ =	shalt  }
0x7f: {  	_ =	shalt  }
0x80: {  	_ =	shalt  }
0x81: {  	_ =	shalt  }
0x82: {  	_ =	shalt  }
0x83: {  	_ =	shalt  }
0x84: {  	_ =	shalt  }
0x85: {  	_ =	shalt  }
0x86: {  	_ =	shalt  }
0x87: {  	_ =	shalt  }
.Lfunc_end0:
.L_simem_size_0:
called_computation_lowered:
.L_overlay_start_0:
0x88: {  	s2 =	sld [smem:$0x3FD9]  }
0x89: {  	s3 =	sld [smem:$0x3FFE];
	_ =	sdelay $0x1  }
0x8a: {  	s1 =	srdreg.scid  }
0x8b: {  	s0 =	sand.u32 $0x1, s1  }
0x8c: {  	s17 =	sshll.u32 s0, $0xA;
	s2 =	sadd.s32 s3, s2  }
0x8d: {  	s2 =	sadd.s32 s2, s17  }
0x8e: {  	[smem:$0x3FBD] =	sst s2  }
0x8f: {  	_ = 	snop  }
0x90: {  	s2 =	sld [smem:$0x3FC9]  }
0x91: {  	s18 =	sld [smem:$0x3FD0];
	(tm) =	ssettm $0x1  }
0x92: {  	s4 =	sld [smem:$0x3FFB];
	_ =	sdelay $0x3  }
0x93: {  	_ =	strace s4  }
0x94: {  	s4 =	sld [smem:$0x3FFC];
	_ =	sdelay $0x3  }
0x95: {  	_ =	strace s4  }
0x96: {  	s4 =	sld [smem:$0x3FFD];
	_ =	sdelay $0x3  }
0x97: {  	_ =	strace s4  }
0x98: {  	_ =	strace $0x8FFFFFFF  }
0x99: {  	s19 =	sld [smem:$0x3FDB];
	_ =	sdelay $0x1  }
0x9a: {  	s5 =	simm.s32 $_scs_section_size  }
0x9b: {  	s6 =	simm.s32 $_size__tile_overlayer_lowered;
	s7 =	simm.s32 $_tile_overlayer_lowered  }
0x9c: {  	s22 =	simm.s32 $0x1BFF;
	s21 =	sshll.u32 s7, $0x1;
	s4 =	sadd.s32 s5, s19  }
0x9d: {  	s8 =	simm.s32 $0x0;
	s20 =	sshll.u32 s6, $0x1;
	s6 =	sadd.s32 s21, s4  }
0x9e: {  	[timem:s8], [sflag:s22] =	dma.local [hbm:s6], s20  }
0x9f: {  	_ =	swait.ge [sflag:s22], s20  }
0xa0: {  	s5 =	ssub.s32 $0x0, s20;
	[sflag:s22] =	ssyncset.done $0x0  }
0xa1: {  	[sflag:s22] =	ssyncadd.s32 s5;
	_ =	sdelay $0x1  }
0xa2: {  	s23 =	simm.s32 $0x1B8B  }
0xa3: {  	_ =	swait.ge [sflag:s23], $0x1  }
0xa4: {  	[sflag:s23] =	ssyncset.done $0x0  }
0xa5: {  	s25 =	simm.s32 $0x1B8E;
	s24 =	sld [smem:$0x3FFE];
	[sflag:s23] =	ssyncadd.s32 $0xFFFFFFFF  }
0xa6: {  	s26 =	simm.s32 $execute0_lowered;
	[smem:$0x3FD2] =	sst s25  }
0xa7: {  	s6 =	sshll.u32 s26, $0x1;
	_ =	strace $0x80000046;
	[dreg:$0x1] =	wrdreg $0xFFFFFFFF  }
0xa8: {  	s28 =	simm.s32 $_size_execute0_lowered;
	s4 =	sadd.s32 s4, s6;
	[dreg:$0x0] =	wrdreg $0x0  }
0xa9: {  	s6 =	sshll.u32 s28, $0x1;
	[dreg:$0x2] =	wrdreg s4  }
0xaa: {  	[dreg:$0x3] =	wrdreg s6  }
0xab: {  	[dreg:$0x4] =	wrdreg $0xC0  }
0xac: {  	_ =	task [dreg:s8], $0x5FFFF  }
0xad: {  	[dreg:$0x1] =	wrdreg $0xFFFFFFFF  }
0xae: {  	[dreg:$0x0] =	wrdreg $0x60  }
0xaf: {  	[dreg:$0x2] =	wrdreg s2  }
0xb0: {  	[dreg:$0x3] =	wrdreg s18  }
0xb1: {  	[dreg:$0x4] =	wrdreg s24  }
0xb2: {  	[dreg:$0x5] =	wrdreg $0x9  }
0xb3: {  	_ =	task.clear_ibuf [dreg:s8], $0x6FFFF;
	_ =	strace $0x90000046  }
0xb4: {  	s29 =	simm.s32 $0x9;
	_ =	strace $0x80000048  }
0xb5: {  	_ =	swait.ge [sflag:s29], $0x1  }
0xb6: {  	[sflag:s29] =	ssyncadd.s32 $0xFFFFFFFF  }
0xb7: {  	_ =	strace $0x90000048  }
0xb8: {  	_ =	sfence  }
0xb9: {  	s30 =	sld [smem:$0x0];
	_ =	sdelay $0x2  }
0xba: {  	s31 =	sshll.u32 s1, $0xD;
	s1 =	sshrl.u32 s1, $0x2  }
0xbb: {  	s3 =	sand.u32 $0x4000, s31;
	s1 =	sadd.s32 s1, s30  }
0xbc: {  	s0 =	sor.u32 s3, s0;
	s1 =	sshll.u32 s1, $0x11  }
0xbd: {  	s0 =	sor.u32 s1, s0  }
0xbe: {  	s0 =	sadd.s32 $0x8F2B, s0  }
0xbf: {  	[sflag:s0] =	ssyncadd.remote.s32 $0x1  }
0xc0: {  	_ =	sfence.sel $0xFFFF  }
0xc1: {  	[dreg:$0x0] =	wrdreg $0xFFFFFFFF;
	(pc) =	sbr.abs _section_cstart, $3  }
0xc2: {  	[dreg:$0x1] =	wrdreg $0xFFFFFFFF  }
0xc3: {  	_ =	task.clear_ibuf [dreg:s8], $0x2FFFF;
	_ =	strace $0x9FFFFFFF  }
0xc4: {  	(tm) =	ssettm $0x7FFFFFFF  }
0xc5: {  	_ =	shalt  }
tec
execute0_lowered:
.L_overlay_start_1:
0x0: {  	(tag) =	ssettag $0x1  }
0x1: {  	s1 =	rddreg [dreg:$0x0]  }
0x2: {  	s2 =	srdreg.scid;
	s3 =	rddreg [dreg:$0x1]  }
0x3: {  	s0 =	stileid.u32;
	s6 =	rddreg [dreg:$0x2]  }
0x4: {  	s10 =	simm.s32 $0x2;
	s11 =	simm.s32 $0x80;
	s12 =	simm.s32 $0x880  }
0x5: {  	s13 =	simm.s32 $0xC80;
	s14 =	simm.s32 $0x1480;
	s15 =	simm.s32 $0x1880  }
0x6: {  	s16 =	simm.s32 $0x2080;
	s17 =	simm.s32 $0x2480;
	s18 =	simm.s32 $0x2C80  }
0x7: {  	s19 =	simm.s32 $0x1;
	s20 =	simm.s32 $0x20;
	s5 =	sand.u32 $0x1, s2  }
0x8: {  	s21 =	simm.s32 $0x3080;
	s31 =	sshll.u32 s0, $0x3;
	s4 =	sshll.u32 s5, $0x2  }
0x9: {  	s2 =	rddreg [dreg:$0x3];
	s5 =	ssub.s32 $0x2, s5;
	s7 =	sor.u32 s4, s31  }
0xa: {  	s4 =	simm.s32 $0x0;
	s9 =	sshrl.u32 s5, $0x1;
	s8 =	smul.u32 $0x180, s7  }
0xb: {  	v2 =	vlaneseq.u32;
	[smem:$0x7FF] =	sst s4;
	s9 =	ssub.s32 s5, s9;
	s5 =	sadd.s32 s6, s7  }
0xc: {  	vm0 =	vmmov $0xffff;
	vm1 =	vmmov $0xff;
	v1 =	vshrl.u32 v2, $0x3;
	_ =	strace $0x80000047;
	s9 =	smax.u32 s9, $0x1;
	s8 =	sadd.s32 s8, s6  }
0xd: {  	v0 =	vand.u32 $0x7, v2;
	v2 =	vor.u32 $0x8, v2;
	v1 =	vmul.u32 $0x8, v1;
	s6 =	sadd.s32 $0x100, s1;
	s7 =	sadd.s32 $0x400, s8;
	s8 =	sadd.s32 $0x200, s5  }
.LBB2_1:
0xe: {  	[tilespmem:s4], [sflag:$0x2] =	stream.linear.gather [hbm4b:s5+s4], $0x20, $0x38;
	[tilespmem:$0x3100] =	vst v63  }
0xf: {  	_ =	swait.ge [sflag:s10], $0x20  }
0x10: {  	[sflag:s10] =	ssyncset.done $0x0  }
0x11: {  	[sflag:s10] =	ssyncadd.s32 $0xFFFFFFE0  }
0x12: {  	v3 =	vld [tilespmem:$0x0];
	_ =	sdelay $0x4  }
0x13: {  	v4 =	vshrl.u32 v3, $0x3  }
0x14: {  	v4 =	vmul.u32 $0x18, v4  }
0x15: {  	v3 =	vand.u32 $0x7, v3  }
0x16: {  	v3 =	vor.u32 v3, v4  }
0x17: {  	v4 =	vperm.xlane v3, v0;
	_ =	sdelay $0x1  }
0x18: {  	v4 =	vadd.s32 v1, v4;
	_ =	sdelay $0x1  }
0x19: {  	v3 =	vperm.xlane v3, v2;
	_ =	sdelay $0x1  }
0x1a: {  	v3 =	vadd.s32 v1, v3  }
0x1b: {  	[tilespmem:s11], [sflag:$0x1] =	stream.indirect_vreg.gather [hbm4b:s1+s4], $0x80, v4, vm0, $0xb8;
	[tilespmem:$0x3100] =	vst v63  }
0x1c: {  	_ = 	snop  }
0x1d: {  	[tilespmem:s12], [sflag:$0x1] =	stream.indirect_vreg.gather [hbm4b:s6+s4], $0x80, v4, vm1, $0xb8;
	[tilespmem:$0x3100] =	vst v63  }
0x1e: {  	_ = 	snop  }
0x1f: {  	[tilespmem:s13], [sflag:$0x1] =	stream.indirect_vreg.gather [hbm4b:s1+s4], $0x80, v3, vm0, $0xb8;
	[tilespmem:$0x3100] =	vst v63  }
0x20: {  	_ = 	snop  }
0x21: {  	[tilespmem:s14], [sflag:$0x1] =	stream.indirect_vreg.gather [hbm4b:s6+s4], $0x80, v3, vm1, $0xb8;
	[tilespmem:$0x3100] =	vst v63  }
0x22: {  	v3 =	vld [tilespmem:$0x10];
	_ =	sdelay $0x4  }
0x23: {  	v63 =	vshrl.u32 v3, $0x3  }
0x24: {  	v4 =	vmul.u32 $0x18, v63  }
0x25: {  	v3 =	vand.u32 $0x7, v3  }
0x26: {  	v3 =	vor.u32 v3, v4  }
0x27: {  	v4 =	vperm.xlane v3, v0;
	_ =	sdelay $0x1  }
0x28: {  	v4 =	vadd.s32 v1, v4;
	_ =	sdelay $0x1  }
0x29: {  	v3 =	vperm.xlane v3, v2;
	_ =	sdelay $0x1  }
0x2a: {  	v3 =	vadd.s32 v1, v3  }
0x2b: {  	[tilespmem:s15], [sflag:$0x1] =	stream.indirect_vreg.gather [hbm4b:s1+s4], $0x80, v4, vm0, $0xb8;
	[tilespmem:$0x3100] =	vst v63  }
0x2c: {  	_ = 	snop  }
0x2d: {  	[tilespmem:s16], [sflag:$0x1] =	stream.indirect_vreg.gather [hbm4b:s6+s4], $0x80, v4, vm1, $0xb8;
	[tilespmem:$0x3100] =	vst v63  }
0x2e: {  	_ = 	snop  }
0x2f: {  	[tilespmem:s17], [sflag:$0x1] =	stream.indirect_vreg.gather [hbm4b:s1+s4], $0x80, v3, vm0, $0xb8;
	[tilespmem:$0x3100] =	vst v63  }
0x30: {  	_ = 	snop  }
0x31: {  	[tilespmem:s18], [sflag:$0x1] =	stream.indirect_vreg.gather [hbm4b:s6+s4], $0x80, v3, vm1, $0xb8;
	[tilespmem:$0x3100] =	vst v63  }
0x32: {  	_ =	swait.ge [sflag:s19], $0x3000  }
0x33: {  	[sflag:s19] =	ssyncset.done $0x0  }
0x34: {  	[sflag:s19] =	ssyncadd.s32 $0xFFFFD000  }
0x35: {  	[tilespmem:s21], [sflag:$0x1] =	stream.indirect.gather [hbm4b:s3+s20], $0x1, s4, s20, $0xb8;
	[tilespmem:$0x3100] =	vst v63  }
0x36: {  	_ =	swait.ge [sflag:s19], $0x20  }
0x37: {  	[sflag:s19] =	ssyncset.done $0x0  }
0x38: {  	[sflag:s19] =	ssyncadd.s32 $0xFFFFFFE0  }
0x39: {  	[hbm4b:s7+s4] =	stream.linear.scatter [tilespmem:s11], [sflag:$0x2], $0x3000, $0x38;
	[tilespmem:$0x3100] =	vst v63  }
0x3a: {  	_ =	swait.ge [sflag:s10], $0x3000  }
0x3b: {  	p0 =	sne.s32 s9, $0x1;
	[sflag:s10] =	ssyncset.done $0x0  }
.Ltmp0:
0x3c: {  	[sflag:s10] =	ssyncadd.s32 $0xFFFFD000;
	(pc) =	sbr.rel @p0 .LBB2_1-.Ltmp0, $4  }
0x3d: {  	[hbm4b:s8+s4] =	stream.linear.scatter [tilespmem:s21], [sflag:$0x2], $0x20, $0x38;
	[tilespmem:$0x3100] =	vst v63  }
0x3e: {  	_ =	swait.ge [sflag:s10], $0x20  }
0x3f: {  	[sflag:s10] =	ssyncset.done $0x0  }
0x40: {  	s9 =	sadd.s32 $0xFFFFFFFF, s9;
	[sflag:s10] =	ssyncadd.s32 $0xFFFFFFE0  }
0x41: {  	_ =	sfence.sel $0x180000  }
0x42: {  	[bflag:$0x0] =	sbarrier.arrive $0xFFFF  }
0x43: {  	p0 =	sne.s32 s0, $0x0;
	_ =	strace $0x90000047  }
0x44: {  	s0 =	sadd.s32 @!p0 $0x100000, s2;
	[bflag:$0x2] =	sbarrier.arrive $0xFFFF  }
0x45: {  	[sflag:s0] =	ssyncadd.tile.s32 @!p0 $0x1;
	_ =	shalt  }
.Lfunc_end2:
_tile_overlayer_lowered:
.L_overlay_start_2:
0x46: {  	(tag) =	ssettag $0x2  }
0x47: {  	s0 =	rddreg [dreg:$0x0];
	s2 =	stileid.u32  }
0x48: {  	s1 =	rddreg [dreg:$0x1];
	p0 =	sne.s32 s2, $0x0  }
0x49: {  	s3 =	rddreg [dreg:$0x2];
	[bflag:$0x3] =	sbarrier.arrive $0xFFFF;
	s2 =	simm.s32 @!p0 $0x1C02  }
0x4a: {  	[timem:s3], [sflag:s2] =	dma.local @!p0 [hbm:s0], s1  }
0x4b: {  	s0 =	simm.s32 @!p0 $0x2  }
0x4c: {  	_ =	swait.ge @!p0 [sflag:s0], s1  }
0x4d: {  	s1 =	ssub.s32 @!p0 $0x0, s1;
	[sflag:s0] =	ssyncset.done @!p0 $0x0  }
0x4e: {  	[sflag:s0] =	ssyncadd.s32 @!p0 s1  }
0x4f: {  	[bflag:$0x3] =	sbarrier.arrive $0xFFFF  }
0x50: {  	_ =	shalt  }

</sc_bundles>
